<compile_context>
chip_gen: v7x
topology: tpu7x:2x2x1
jax: 0.10.2.dev20260603
libtpu: 0.0.44.dev20260713+nightly
codegen_flags: <defaults>
</compile_context>

<pallas_src>
import functools

import jax
import jax.numpy as jnp
from jax import lax
from jax.experimental import pallas as pl
from jax.experimental.pallas import tpu as pltpu
from jax.experimental.pallas import tpu_sc as plsc

N = 10000
D = 128
NC = 2
NS = 16
NW = NC * NS
L = 16
CHUNK = 112
NB = 3
N_PAD = 10240
RPT = N_PAD // NS


def _sc_degree(dst3, ch):
    mesh = plsc.VectorSubcoreMesh(core_axis_name="c", subcore_axis_name="s")

    @functools.partial(
        pl.kernel,
        out_type=jax.ShapeDtypeStruct((NC, N_PAD), jnp.float32),
        mesh=mesh,
        scratch_types=[
            pltpu.VMEM((ch, CHUNK), jnp.int32),
            pltpu.VMEM((CHUNK,), jnp.float32),
            pltpu.VMEM((RPT,), jnp.float32),
            pltpu.VMEM_SHARED((N_PAD,), jnp.float32),
            pltpu.SemaphoreType.DMA,
        ],
    )
    def deg_kernel(dst_hbm, out_hbm, idx_v, ones_v, zstage_v, acc_sh, sem):
        c = lax.axis_index("c")
        s = lax.axis_index("s")
        w = s * NC + c

        one = jnp.ones((L,), jnp.float32)
        zero = jnp.zeros((L,), jnp.float32)
        for i in range(CHUNK // L):
            ones_v[pl.ds(i * L, L)] = one

        def zinit(i, _):
            zstage_v[pl.ds(i * L, L)] = zero
            return ()
        lax.fori_loop(0, RPT // L, zinit, ())

        pltpu.sync_copy(zstage_v, acc_sh.at[pl.ds(s * RPT, RPT)])
        pltpu.sync_copy(dst_hbm.at[w], idx_v)
        plsc.subcore_barrier()

        def fire(j, _):
            pltpu.async_copy(ones_v, acc_sh.at[idx_v.at[j]], sem, add=True)
            return ()
        lax.fori_loop(0, ch, fire, ())

        def drain(j, _):
            pltpu.make_async_copy(ones_v, acc_sh.at[idx_v.at[j]], sem).wait()
            return ()
        lax.fori_loop(0, ch, drain, ())

        plsc.subcore_barrier()
        pltpu.sync_copy(acc_sh.at[pl.ds(s * RPT, RPT)],
                        out_hbm.at[c, pl.ds(s * RPT, RPT)])

    return deg_kernel(dst3)


WIN = 6
NBUF = WIN


def _sc_aggregate(hp, src4, dst4, nwin):
    mesh = plsc.VectorSubcoreMesh(core_axis_name="c", subcore_axis_name="s")

    @functools.partial(
        pl.kernel,
        out_type=jax.ShapeDtypeStruct((NC, N_PAD, D), jnp.float32),
        mesh=mesh,
        scratch_types=[
            pltpu.VMEM((2, WIN, CHUNK), jnp.int32),
            pltpu.VMEM((2, WIN, CHUNK), jnp.int32),
            pltpu.VMEM((CHUNK, D), jnp.float32),
            pltpu.VMEM((CHUNK, D), jnp.float32),
            pltpu.VMEM((CHUNK, D), jnp.float32),
            pltpu.VMEM_SHARED((N_PAD, D), jnp.float32),
            pltpu.SemaphoreType.DMA,
            pltpu.SemaphoreType.DMA,
            pltpu.SemaphoreType.DMA,
        ],
    )
    def agg_kernel(hp_hbm, src_hbm, dst_hbm, out_hbm,
                   srcw, dstw, rows0, rows1, rows2,
                   acc_sh, gsem, ssem, isem):
        c = lax.axis_index("c")
        s = lax.axis_index("s")
        w = s * NC + c
        rows = (rows0, rows1, rows2)

        zero = jnp.zeros((L,), jnp.float32)

        def zrow(j, _):
            for k in range(D // L):
                rows0[j, pl.ds(k * L, L)] = zero
            return ()
        lax.fori_loop(0, CHUNK, zrow, ())
        for i in range(RPT // CHUNK):
            pltpu.sync_copy(rows0, acc_sh.at[pl.ds(s * RPT + i * CHUNK, CHUNK)])
        REM = RPT % CHUNK
        if REM:
            pltpu.sync_copy(
                rows0.at[pl.ds(0, REM)],
                acc_sh.at[pl.ds(s * RPT + (RPT // CHUNK) * CHUNK, REM)])

        pltpu.sync_copy(src_hbm.at[w, 0], srcw.at[0])
        pltpu.sync_copy(dst_hbm.at[w, 0], dstw.at[0])
        plsc.subcore_barrier()

        pltpu.async_copy(hp_hbm.at[srcw.at[0, 0]], rows0, gsem)
        pltpu.async_copy(hp_hbm.at[srcw.at[0, 1]], rows1, gsem)

        def window(win, _):
            cur = lax.rem(win, 2)
            nxt = 1 - cur
            more = win + 1 < nwin

            @pl.when(more)
            def _():
                pltpu.async_copy(src_hbm.at[w, win + 1], srcw.at[nxt], isem)
                pltpu.async_copy(dst_hbm.at[w, win + 1], dstw.at[nxt], isem)

            for k in range(WIN):
                pltpu.make_async_copy(hp_hbm.at[srcw.at[cur, k]],
                                      rows[k % 3], gsem).wait()
                if k >= 1:
                    pltpu.make_async_copy(rows[(k - 1) % 3],
                                          acc_sh.at[dstw.at[cur, k - 1]],
                                          ssem).wait()
                kn = k + 2
                if kn < WIN:
                    pltpu.async_copy(hp_hbm.at[srcw.at[cur, kn]],
                                     rows[kn % 3], gsem)
                else:
                    if kn == WIN:
                        @pl.when(more)
                        def _():
                            pltpu.make_async_copy(src_hbm.at[w, win + 1],
                                                  srcw.at[nxt], isem).wait()
                            pltpu.make_async_copy(dst_hbm.at[w, win + 1],
                                                  dstw.at[nxt], isem).wait()

                    @pl.when(more)
                    def _():
                        pltpu.async_copy(hp_hbm.at[srcw.at[nxt, kn - WIN]],
                                         rows[kn % 3], gsem)
                pltpu.async_copy(rows[k % 3], acc_sh.at[dstw.at[cur, k]],
                                 ssem, add=True)
            pltpu.make_async_copy(rows[(WIN - 1) % 3],
                                  acc_sh.at[dstw.at[cur, WIN - 1]],
                                  ssem).wait()
            return ()
        lax.fori_loop(0, nwin, window, ())

        plsc.subcore_barrier()
        pltpu.sync_copy(acc_sh.at[pl.ds(s * RPT, RPT)],
                        out_hbm.at[c, pl.ds(s * RPT, RPT)])

    return agg_kernel(hp, src4, dst4)


def _tc_project(X, W, b, degcol):
    BLK = 2048
    grid = N_PAD // BLK

    def body(x_ref, w_ref, b_ref, deg_ref, hp_ref, dinv_ref):
        i = pl.program_id(0)
        h = jnp.dot(x_ref[...], w_ref[...],
                    preferred_element_type=jnp.float32) + b_ref[...]
        dinv = lax.rsqrt(deg_ref[...])
        rows = i * BLK + lax.broadcasted_iota(jnp.int32, (BLK, 1), 0)
        valid = rows < N
        dinv = jnp.where(valid, dinv, 0.0)
        hp_ref[...] = jnp.where(valid, h * dinv, 0.0)
        dinv_ref[...] = dinv

    return pl.pallas_call(
        body,
        grid=(grid,),
        in_specs=[
            pl.BlockSpec((BLK, D), lambda i: (i, 0)),
            pl.BlockSpec((D, D), lambda i: (0, 0)),
            pl.BlockSpec((1, D), lambda i: (0, 0)),
            pl.BlockSpec((BLK, 1), lambda i: (i, 0)),
        ],
        out_specs=[
            pl.BlockSpec((BLK, D), lambda i: (i, 0)),
            pl.BlockSpec((BLK, 1), lambda i: (i, 0)),
        ],
        out_shape=[
            jax.ShapeDtypeStruct((N_PAD, D), jnp.float32),
            jax.ShapeDtypeStruct((N_PAD, 1), jnp.float32),
        ],
    )(X, W, b, degcol)


def _tc_finish(parts, hp, dinv):
    BLK = 2000
    grid = N // BLK

    def body(p_ref, hp_ref, dinv_ref, o_ref):
        acc = p_ref[0] + p_ref[1] + hp_ref[...]
        o_ref[...] = jnp.maximum(acc * dinv_ref[...], 0.0)

    return pl.pallas_call(
        body,
        grid=(grid,),
        in_specs=[
            pl.BlockSpec((NC, BLK, D), lambda i: (0, i, 0)),
            pl.BlockSpec((BLK, D), lambda i: (i, 0)),
            pl.BlockSpec((BLK, 1), lambda i: (i, 0)),
        ],
        out_specs=pl.BlockSpec((BLK, D), lambda i: (i, 0)),
        out_shape=jax.ShapeDtypeStruct((N, D), jnp.float32),
    )(parts, hp, dinv)


def kernel(X, edge_index, W, b):
    E = edge_index.shape[1]
    epw = -(-E // NW)
    ch = -(-epw // CHUNK)
    ch = -(-ch // WIN) * WIN
    nwin = ch // WIN
    e_pad = NW * ch * CHUNK

    src = edge_index[0].astype(jnp.int32)
    dst = edge_index[1].astype(jnp.int32)
    pad = jnp.full((e_pad - E,), N, jnp.int32)
    src4 = jnp.concatenate([src, pad]).reshape(NW, nwin, WIN, CHUNK)
    dst4 = jnp.concatenate([dst, pad]).reshape(NW, nwin, WIN, CHUNK)

    degp = _sc_degree(dst4.reshape(NW, ch, CHUNK), ch)
    degcol = (degp[0] + degp[1] + 1.0)[:, None]
    hp, dinv = _tc_project(X, W, b.reshape(1, D), degcol)
    parts = _sc_aggregate(hp, src4, dst4, nwin)
    return _tc_finish(parts, hp, dinv)

# --- scband reference (transcript-rebuilt; emitter-appended) ---
"""Pipeline reference for scband-gcnconv-50517405336095 (READ-ONLY COPY).

The authoritative reference and input builder live on the scoring server;
editing this copy changes nothing except your own understanding.
"""

import jax, jax.numpy as jnp
import numpy as np
import math

N = 10000
E = 320000
D_IN = 128
D_OUT = 128


def setup_inputs(seed: int = 0) -> dict:
    key = jax.random.key(seed)
    k1, k2, k3, k4 = jax.random.split(key, 4)
    X = jax.random.normal(k1, (N, D_IN), dtype=jnp.float32)
    edge_index = jax.random.randint(k2, (2, E), 0, N).astype(jnp.int64)
    # nn.Linear(input_dim, output_dim) parameters (kaiming-uniform-like init)
    bound = 1.0 / math.sqrt(D_IN)
    W = jax.random.uniform(k3, (D_IN, D_OUT), dtype=jnp.float32, minval=-bound, maxval=bound)
    b = jax.random.uniform(k4, (D_OUT,), dtype=jnp.float32, minval=-bound, maxval=bound)
    return {"X": X, "edge_index": edge_index, "W": W, "b": b}


def reference(X, edge_index, W, b):
    # theta: linear projection
    H = X @ W + b
    # smoothing_with_GCN: symmetric-normalized adjacency (with self loops)
    # out = D^{-1/2} (A + I) D^{-1/2} H
    src = edge_index[0]
    dst = edge_index[1]
    loop = jnp.arange(N, dtype=src.dtype)
    src = jnp.concatenate([src, loop])
    dst = jnp.concatenate([dst, loop])
    deg = jnp.zeros((N,), dtype=jnp.float32).at[dst].add(1.0)
    dinv = jax.lax.rsqrt(jnp.maximum(deg, 1.0))
    norm = dinv[src] * dinv[dst]
    msgs = jnp.take(H, src, axis=0) * norm[:, None]
    out = jax.ops.segment_sum(msgs, dst, num_segments=N)
    # act + dropout (dropout is identity at inference)
    out = jax.nn.relu(out)
    return out

if __name__ == "__main__":
    import jax
    _d = setup_inputs()
    print(jax.jit(kernel)(*tuple(_d.values())))

</pallas_src>

<mosaic_0001>
#map = affine_map<(d0, d1) -> (0, 0)>
#map1 = affine_map<(d0, d1) -> (0, 0, 0, 0)>
#map2 = affine_map<(d0, d1) -> (0, 0, 0)>
module attributes {stable_mosaic.version = 14 : i64} {
  func.func @agg_kernel(%arg0: i32, %arg1: i32, %arg2: memref<10240x128xf32, #tpu.memory_space<hbm>>, %arg3: memref<32x15x6x112xi32, #tpu.memory_space<hbm>>, %arg4: memref<32x15x6x112xi32, #tpu.memory_space<hbm>>, %arg5: memref<2x10240x128xf32, #tpu.memory_space<hbm>>, %arg6: memref<2x6x112xi32, #tpu.memory_space<vmem>>, %arg7: memref<2x6x112xi32, #tpu.memory_space<vmem>>, %arg8: memref<112x128xf32, #tpu.memory_space<vmem>>, %arg9: memref<112x128xf32, #tpu.memory_space<vmem>>, %arg10: memref<112x128xf32, #tpu.memory_space<vmem>>, %arg11: memref<10240x128xf32, #tpu.memory_space<vmem_shared>>, %arg12: memref<!tpu.dma_semaphore, #tpu.memory_space<semaphore_mem>>, %arg13: memref<!tpu.dma_semaphore, #tpu.memory_space<semaphore_mem>>, %arg14: memref<!tpu.dma_semaphore, #tpu.memory_space<semaphore_mem>>) attributes {dimension_semantics = [#tpu.dimension_semantics<core_parallel>, #tpu.dimension_semantics<subcore_parallel>], iteration_bounds = array<i64: 2, 16>, scalar_prefetch = 0 : i64, scratch_operands = 9 : i64, tpu.core_type = #tpu.core_type<sc_vector_subcore>, window_params = [{transform_indices = #map}, {transform_indices = #map1}, {transform_indices = #map1}, {transform_indices = #map2}]} {
    %mul3A = arith.constant 2 : i32
    %mul3A_0 = arith.muli %arg1, %mul3A : i32
    %add3A = arith.addi %mul3A_0, %arg0 : i32
    %broadcast_in_dim3A = arith.constant 0.000000e+00 : f32
    %broadcast_in_dim3A_1 = vector.broadcast %broadcast_in_dim3A : f32 to vector<16xf32>
    %scan3A = arith.constant 0 : i32
    %scan3A_2 = arith.constant 112 : i32
    %scan3A_3 = arith.addi %scan3A, %scan3A_2 : i32
    %scan3A_4 = arith.constant 1 : i32
    scf.for %scan3A_58 = %scan3A to %scan3A_3 step %scan3A_4  : i32 {
      %swap3A = arith.index_cast %scan3A_58 : i32 to index
      %swap3A_59 = arith.constant 0 : index
      %swap3A_60 = tpu.vector_load %arg8[%swap3A, %swap3A_59] {strides = array<i32>} : memref<112x128xf32, #tpu.memory_space<vmem>>, vector<1x16xf32>,
      %swap3A_61 = vector.shape_cast %swap3A_60 : vector<1x16xf32> to vector<16xf32>
      %swap3A_62 = vector.shape_cast %broadcast_in_dim3A_1 : vector<16xf32> to vector<1x16xf32>
      tpu.vector_store %arg8[%swap3A, %swap3A_59], %swap3A_62 {strides = array<i32>} : memref<112x128xf32, #tpu.memory_space<vmem>>, vector<1x16xf32>,
      %swap3A_63 = arith.index_cast %scan3A_58 : i32 to index
      %swap3A_64 = arith.constant 16 : index
      %swap3A_65 = tpu.vector_load %arg8[%swap3A_63, %swap3A_64] {strides = array<i32>} : memref<112x128xf32, #tpu.memory_space<vmem>>, vector<1x16xf32>,
      %swap3A_66 = vector.shape_cast %swap3A_65 : vector<1x16xf32> to vector<16xf32>
      %swap3A_67 = vector.shape_cast %broadcast_in_dim3A_1 : vector<16xf32> to vector<1x16xf32>
      tpu.vector_store %arg8[%swap3A_63, %swap3A_64], %swap3A_67 {strides = array<i32>} : memref<112x128xf32, #tpu.memory_space<vmem>>, vector<1x16xf32>,
      %swap3A_68 = arith.index_cast %scan3A_58 : i32 to index
      %swap3A_69 = arith.constant 32 : index
      %swap3A_70 = tpu.vector_load %arg8[%swap3A_68, %swap3A_69] {strides = array<i32>} : memref<112x128xf32, #tpu.memory_space<vmem>>, vector<1x16xf32>,
      %swap3A_71 = vector.shape_cast %swap3A_70 : vector<1x16xf32> to vector<16xf32>
      %swap3A_72 = vector.shape_cast %broadcast_in_dim3A_1 : vector<16xf32> to vector<1x16xf32>
      tpu.vector_store %arg8[%swap3A_68, %swap3A_69], %swap3A_72 {strides = array<i32>} : memref<112x128xf32, #tpu.memory_space<vmem>>, vector<1x16xf32>,
      %swap3A_73 = arith.index_cast %scan3A_58 : i32 to index
      %swap3A_74 = arith.constant 48 : index
      %swap3A_75 = tpu.vector_load %arg8[%swap3A_73, %swap3A_74] {strides = array<i32>} : memref<112x128xf32, #tpu.memory_space<vmem>>, vector<1x16xf32>,
      %swap3A_76 = vector.shape_cast %swap3A_75 : vector<1x16xf32> to vector<16xf32>
      %swap3A_77 = vector.shape_cast %broadcast_in_dim3A_1 : vector<16xf32> to vector<1x16xf32>
      tpu.vector_store %arg8[%swap3A_73, %swap3A_74], %swap3A_77 {strides = array<i32>} : memref<112x128xf32, #tpu.memory_space<vmem>>, vector<1x16xf32>,
      %swap3A_78 = arith.index_cast %scan3A_58 : i32 to index
      %swap3A_79 = arith.constant 64 : index
      %swap3A_80 = tpu.vector_load %arg8[%swap3A_78, %swap3A_79] {strides = array<i32>} : memref<112x128xf32, #tpu.memory_space<vmem>>, vector<1x16xf32>,
      %swap3A_81 = vector.shape_cast %swap3A_80 : vector<1x16xf32> to vector<16xf32>
      %swap3A_82 = vector.shape_cast %broadcast_in_dim3A_1 : vector<16xf32> to vector<1x16xf32>
      tpu.vector_store %arg8[%swap3A_78, %swap3A_79], %swap3A_82 {strides = array<i32>} : memref<112x128xf32, #tpu.memory_space<vmem>>, vector<1x16xf32>,
      %swap3A_83 = arith.index_cast %scan3A_58 : i32 to index
      %swap3A_84 = arith.constant 80 : index
      %swap3A_85 = tpu.vector_load %arg8[%swap3A_83, %swap3A_84] {strides = array<i32>} : memref<112x128xf32, #tpu.memory_space<vmem>>, vector<1x16xf32>,
      %swap3A_86 = vector.shape_cast %swap3A_85 : vector<1x16xf32> to vector<16xf32>
      %swap3A_87 = vector.shape_cast %broadcast_in_dim3A_1 : vector<16xf32> to vector<1x16xf32>
      tpu.vector_store %arg8[%swap3A_83, %swap3A_84], %swap3A_87 {strides = array<i32>} : memref<112x128xf32, #tpu.memory_space<vmem>>, vector<1x16xf32>,
      %swap3A_88 = arith.index_cast %scan3A_58 : i32 to index
      %swap3A_89 = arith.constant 96 : index
      %swap3A_90 = tpu.vector_load %arg8[%swap3A_88, %swap3A_89] {strides = array<i32>} : memref<112x128xf32, #tpu.memory_space<vmem>>, vector<1x16xf32>,
      %swap3A_91 = vector.shape_cast %swap3A_90 : vector<1x16xf32> to vector<16xf32>
      %swap3A_92 = vector.shape_cast %broadcast_in_dim3A_1 : vector<16xf32> to vector<1x16xf32>
      tpu.vector_store %arg8[%swap3A_88, %swap3A_89], %swap3A_92 {strides = array<i32>} : memref<112x128xf32, #tpu.memory_space<vmem>>, vector<1x16xf32>,
      %swap3A_93 = arith.index_cast %scan3A_58 : i32 to index
      %swap3A_94 = arith.constant 112 : index
      %swap3A_95 = tpu.vector_load %arg8[%swap3A_93, %swap3A_94] {strides = array<i32>} : memref<112x128xf32, #tpu.memory_space<vmem>>, vector<1x16xf32>,
      %swap3A_96 = vector.shape_cast %swap3A_95 : vector<1x16xf32> to vector<16xf32>
      %swap3A_97 = vector.shape_cast %broadcast_in_dim3A_1 : vector<16xf32> to vector<1x16xf32>
      tpu.vector_store %arg8[%swap3A_93, %swap3A_94], %swap3A_97 {strides = array<i32>} : memref<112x128xf32, #tpu.memory_space<vmem>>, vector<1x16xf32>,
    }
    %scan3A_5 = arith.constant 112 : i32
    %mul3A_6 = arith.constant 640 : i32
    %mul3A_7 = arith.muli %arg1, %mul3A_6 : i32
    %add3A_8 = arith.constant 0 : i32
    %add3A_9 = arith.addi %mul3A_7, %add3A_8 : i32
    "tpu.region"() ({
      %run_scoped3A_58 = tpu.sem_alloc : memref<!tpu.dma_semaphore, #tpu.memory_space<semaphore_mem>>
      %dma_start3A_59 = arith.constant 0 : i32
      %dma_start3A_60 = tpu.memref_slice %arg11[%add3A_9, %dma_start3A_59] : memref<10240x128xf32, #tpu.memory_space<vmem_shared>> -> memref<112x128xf32, #tpu.memory_space<vmem_shared>>
      %dma_start3A_61 = arith.constant 0 : i32
      %dma_start3A_62 = tpu.memref_slice %arg11[%add3A_9, %dma_start3A_61] : memref<10240x128xf32, #tpu.memory_space<vmem_shared>> -> memref<112x128xf32, #tpu.memory_space<vmem_shared>>
      tpu.enqueue_dma source(%arg8 : memref<112x128xf32, #tpu.memory_space<vmem>>) target(%dma_start3A_62 : memref<112x128xf32, #tpu.memory_space<vmem_shared>>) target_semaphore(%run_scoped3A_58 : memref<!tpu.dma_semaphore, #tpu.memory_space<semaphore_mem>>)
      %dma_wait3A = arith.constant 0 : i32
      %dma_wait3A_63 = tpu.memref_slice %arg11[%add3A_9, %dma_wait3A] : memref<10240x128xf32, #tpu.memory_space<vmem_shared>> -> memref<112x128xf32, #tpu.memory_space<vmem_shared>>
      %dma_wait3A_64 = arith.constant 0 : i32
      %dma_wait3A_65 = tpu.memref_slice %arg11[%add3A_9, %dma_wait3A_64] : memref<10240x128xf32, #tpu.memory_space<vmem_shared>> -> memref<112x128xf32, #tpu.memory_space<vmem_shared>>
      tpu.wait_dma2 semaphore(%run_scoped3A_58 : memref<!tpu.dma_semaphore, #tpu.memory_space<semaphore_mem>>) src(%arg8 : memref<112x128xf32, #tpu.memory_space<vmem>>) dst(%dma_wait3A_65 : memref<112x128xf32, #tpu.memory_space<vmem_shared>>)
      tpu.yield
    }) : () -> ()
    %mul3A_10 = arith.constant 640 : i32
    %mul3A_11 = arith.muli %arg1, %mul3A_10 : i32
    %add3A_12 = arith.constant 112 : i32
    %add3A_13 = arith.addi %mul3A_11, %add3A_12 : i32
    "tpu.region"() ({
      %run_scoped3A_58 = tpu.sem_alloc : memref<!tpu.dma_semaphore, #tpu.memory_space<semaphore_mem>>
      %dma_start3A_59 = arith.constant 0 : i32
      %dma_start3A_60 = tpu.memref_slice %arg11[%add3A_13, %dma_start3A_59] : memref<10240x128xf32, #tpu.memory_space<vmem_shared>> -> memref<112x128xf32, #tpu.memory_space<vmem_shared>>
      %dma_start3A_61 = arith.constant 0 : i32
      %dma_start3A_62 = tpu.memref_slice %arg11[%add3A_13, %dma_start3A_61] : memref<10240x128xf32, #tpu.memory_space<vmem_shared>> -> memref<112x128xf32, #tpu.memory_space<vmem_shared>>
      tpu.enqueue_dma source(%arg8 : memref<112x128xf32, #tpu.memory_space<vmem>>) target(%dma_start3A_62 : memref<112x128xf32, #tpu.memory_space<vmem_shared>>) target_semaphore(%run_scoped3A_58 : memref<!tpu.dma_semaphore, #tpu.memory_space<semaphore_mem>>)
      %dma_wait3A = arith.constant 0 : i32
      %dma_wait3A_63 = tpu.memref_slice %arg11[%add3A_13, %dma_wait3A] : memref<10240x128xf32, #tpu.memory_space<vmem_shared>> -> memref<112x128xf32, #tpu.memory_space<vmem_shared>>
      %dma_wait3A_64 = arith.constant 0 : i32
      %dma_wait3A_65 = tpu.memref_slice %arg11[%add3A_13, %dma_wait3A_64] : memref<10240x128xf32, #tpu.memory_space<vmem_shared>> -> memref<112x128xf32, #tpu.memory_space<vmem_shared>>
      tpu.wait_dma2 semaphore(%run_scoped3A_58 : memref<!tpu.dma_semaphore, #tpu.memory_space<semaphore_mem>>) src(%arg8 : memref<112x128xf32, #tpu.memory_space<vmem>>) dst(%dma_wait3A_65 : memref<112x128xf32, #tpu.memory_space<vmem_shared>>)
      tpu.yield
    }) : () -> ()
    %mul3A_14 = arith.constant 640 : i32
    %mul3A_15 = arith.muli %arg1, %mul3A_14 : i32
    %add3A_16 = arith.constant 224 : i32
    %add3A_17 = arith.addi %mul3A_15, %add3A_16 : i32
    "tpu.region"() ({
      %run_scoped3A_58 = tpu.sem_alloc : memref<!tpu.dma_semaphore, #tpu.memory_space<semaphore_mem>>
      %dma_start3A_59 = arith.constant 0 : i32
      %dma_start3A_60 = tpu.memref_slice %arg11[%add3A_17, %dma_start3A_59] : memref<10240x128xf32, #tpu.memory_space<vmem_shared>> -> memref<112x128xf32, #tpu.memory_space<vmem_shared>>
      %dma_start3A_61 = arith.constant 0 : i32
      %dma_start3A_62 = tpu.memref_slice %arg11[%add3A_17, %dma_start3A_61] : memref<10240x128xf32, #tpu.memory_space<vmem_shared>> -> memref<112x128xf32, #tpu.memory_space<vmem_shared>>
      tpu.enqueue_dma source(%arg8 : memref<112x128xf32, #tpu.memory_space<vmem>>) target(%dma_start3A_62 : memref<112x128xf32, #tpu.memory_space<vmem_shared>>) target_semaphore(%run_scoped3A_58 : memref<!tpu.dma_semaphore, #tpu.memory_space<semaphore_mem>>)
      %dma_wait3A = arith.constant 0 : i32
      %dma_wait3A_63 = tpu.memref_slice %arg11[%add3A_17, %dma_wait3A] : memref<10240x128xf32, #tpu.memory_space<vmem_shared>> -> memref<112x128xf32, #tpu.memory_space<vmem_shared>>
      %dma_wait3A_64 = arith.constant 0 : i32
      %dma_wait3A_65 = tpu.memref_slice %arg11[%add3A_17, %dma_wait3A_64] : memref<10240x128xf32, #tpu.memory_space<vmem_shared>> -> memref<112x128xf32, #tpu.memory_space<vmem_shared>>
      tpu.wait_dma2 semaphore(%run_scoped3A_58 : memref<!tpu.dma_semaphore, #tpu.memory_space<semaphore_mem>>) src(%arg8 : memref<112x128xf32, #tpu.memory_space<vmem>>) dst(%dma_wait3A_65 : memref<112x128xf32, #tpu.memory_space<vmem_shared>>)
      tpu.yield
    }) : () -> ()
    %mul3A_18 = arith.constant 640 : i32
    %mul3A_19 = arith.muli %arg1, %mul3A_18 : i32
    %add3A_20 = arith.constant 336 : i32
    %add3A_21 = arith.addi %mul3A_19, %add3A_20 : i32
    "tpu.region"() ({
      %run_scoped3A_58 = tpu.sem_alloc : memref<!tpu.dma_semaphore, #tpu.memory_space<semaphore_mem>>
      %dma_start3A_59 = arith.constant 0 : i32
      %dma_start3A_60 = tpu.memref_slice %arg11[%add3A_21, %dma_start3A_59] : memref<10240x128xf32, #tpu.memory_space<vmem_shared>> -> memref<112x128xf32, #tpu.memory_space<vmem_shared>>
      %dma_start3A_61 = arith.constant 0 : i32
      %dma_start3A_62 = tpu.memref_slice %arg11[%add3A_21, %dma_start3A_61] : memref<10240x128xf32, #tpu.memory_space<vmem_shared>> -> memref<112x128xf32, #tpu.memory_space<vmem_shared>>
      tpu.enqueue_dma source(%arg8 : memref<112x128xf32, #tpu.memory_space<vmem>>) target(%dma_start3A_62 : memref<112x128xf32, #tpu.memory_space<vmem_shared>>) target_semaphore(%run_scoped3A_58 : memref<!tpu.dma_semaphore, #tpu.memory_space<semaphore_mem>>)
      %dma_wait3A = arith.constant 0 : i32
      %dma_wait3A_63 = tpu.memref_slice %arg11[%add3A_21, %dma_wait3A] : memref<10240x128xf32, #tpu.memory_space<vmem_shared>> -> memref<112x128xf32, #tpu.memory_space<vmem_shared>>
      %dma_wait3A_64 = arith.constant 0 : i32
      %dma_wait3A_65 = tpu.memref_slice %arg11[%add3A_21, %dma_wait3A_64] : memref<10240x128xf32, #tpu.memory_space<vmem_shared>> -> memref<112x128xf32, #tpu.memory_space<vmem_shared>>
      tpu.wait_dma2 semaphore(%run_scoped3A_58 : memref<!tpu.dma_semaphore, #tpu.memory_space<semaphore_mem>>) src(%arg8 : memref<112x128xf32, #tpu.memory_space<vmem>>) dst(%dma_wait3A_65 : memref<112x128xf32, #tpu.memory_space<vmem_shared>>)
      tpu.yield
    }) : () -> ()
    %mul3A_22 = arith.constant 640 : i32
    %mul3A_23 = arith.muli %arg1, %mul3A_22 : i32
    %add3A_24 = arith.constant 448 : i32
    %add3A_25 = arith.addi %mul3A_23, %add3A_24 : i32
    "tpu.region"() ({
      %run_scoped3A_58 = tpu.sem_alloc : memref<!tpu.dma_semaphore, #tpu.memory_space<semaphore_mem>>
      %dma_start3A_59 = arith.constant 0 : i32
      %dma_start3A_60 = tpu.memref_slice %arg11[%add3A_25, %dma_start3A_59] : memref<10240x128xf32, #tpu.memory_space<vmem_shared>> -> memref<112x128xf32, #tpu.memory_space<vmem_shared>>
      %dma_start3A_61 = arith.constant 0 : i32
      %dma_start3A_62 = tpu.memref_slice %arg11[%add3A_25, %dma_start3A_61] : memref<10240x128xf32, #tpu.memory_space<vmem_shared>> -> memref<112x128xf32, #tpu.memory_space<vmem_shared>>
      tpu.enqueue_dma source(%arg8 : memref<112x128xf32, #tpu.memory_space<vmem>>) target(%dma_start3A_62 : memref<112x128xf32, #tpu.memory_space<vmem_shared>>) target_semaphore(%run_scoped3A_58 : memref<!tpu.dma_semaphore, #tpu.memory_space<semaphore_mem>>)
      %dma_wait3A = arith.constant 0 : i32
      %dma_wait3A_63 = tpu.memref_slice %arg11[%add3A_25, %dma_wait3A] : memref<10240x128xf32, #tpu.memory_space<vmem_shared>> -> memref<112x128xf32, #tpu.memory_space<vmem_shared>>
      %dma_wait3A_64 = arith.constant 0 : i32
      %dma_wait3A_65 = tpu.memref_slice %arg11[%add3A_25, %dma_wait3A_64] : memref<10240x128xf32, #tpu.memory_space<vmem_shared>> -> memref<112x128xf32, #tpu.memory_space<vmem_shared>>
      tpu.wait_dma2 semaphore(%run_scoped3A_58 : memref<!tpu.dma_semaphore, #tpu.memory_space<semaphore_mem>>) src(%arg8 : memref<112x128xf32, #tpu.memory_space<vmem>>) dst(%dma_wait3A_65 : memref<112x128xf32, #tpu.memory_space<vmem_shared>>)
      tpu.yield
    }) : () -> ()
    %mul3A_26 = arith.constant 640 : i32
    %mul3A_27 = arith.muli %arg1, %mul3A_26 : i32
    %add3A_28 = arith.constant 560 : i32
    %add3A_29 = arith.addi %mul3A_27, %add3A_28 : i32
    "tpu.region"() ({
      %run_scoped3A_58 = tpu.sem_alloc : memref<!tpu.dma_semaphore, #tpu.memory_space<semaphore_mem>>
      %dma_start3A_59 = arith.constant 0 : i32
      %dma_start3A_60 = arith.constant 0 : i32
      %dma_start3A_61 = tpu.memref_slice %arg8[%dma_start3A_59, %dma_start3A_60] : memref<112x128xf32, #tpu.memory_space<vmem>> -> memref<80x128xf32, #tpu.memory_space<vmem>>
      %dma_start3A_62 = arith.constant 0 : i32
      %dma_start3A_63 = tpu.memref_slice %arg11[%add3A_29, %dma_start3A_62] : memref<10240x128xf32, #tpu.memory_space<vmem_shared>> -> memref<80x128xf32, #tpu.memory_space<vmem_shared>>
      %dma_start3A_64 = arith.constant 0 : i32
      %dma_start3A_65 = tpu.memref_slice %arg11[%add3A_29, %dma_start3A_64] : memref<10240x128xf32, #tpu.memory_space<vmem_shared>> -> memref<80x128xf32, #tpu.memory_space<vmem_shared>>
      %dma_start3A_66 = arith.constant 0 : i32
      %dma_start3A_67 = arith.constant 0 : i32
      %dma_start3A_68 = tpu.memref_slice %arg8[%dma_start3A_66, %dma_start3A_67] : memref<112x128xf32, #tpu.memory_space<vmem>> -> memref<80x128xf32, #tpu.memory_space<vmem>>
      tpu.enqueue_dma source(%dma_start3A_68 : memref<80x128xf32, #tpu.memory_space<vmem>>) target(%dma_start3A_65 : memref<80x128xf32, #tpu.memory_space<vmem_shared>>) target_semaphore(%run_scoped3A_58 : memref<!tpu.dma_semaphore, #tpu.memory_space<semaphore_mem>>)
      %dma_wait3A = arith.constant 0 : i32
      %dma_wait3A_69 = arith.constant 0 : i32
      %dma_wait3A_70 = tpu.memref_slice %arg8[%dma_wait3A, %dma_wait3A_69] : memref<112x128xf32, #tpu.memory_space<vmem>> -> memref<80x128xf32, #tpu.memory_space<vmem>>
      %dma_wait3A_71 = arith.constant 0 : i32
      %dma_wait3A_72 = tpu.memref_slice %arg11[%add3A_29, %dma_wait3A_71] : memref<10240x128xf32, #tpu.memory_space<vmem_shared>> -> memref<80x128xf32, #tpu.memory_space<vmem_shared>>
      %dma_wait3A_73 = arith.constant 0 : i32
      %dma_wait3A_74 = tpu.memref_slice %arg11[%add3A_29, %dma_wait3A_73] : memref<10240x128xf32, #tpu.memory_space<vmem_shared>> -> memref<80x128xf32, #tpu.memory_space<vmem_shared>>
      %dma_wait3A_75 = arith.constant 0 : i32
      %dma_wait3A_76 = arith.constant 0 : i32
      %dma_wait3A_77 = tpu.memref_slice %arg8[%dma_wait3A_75, %dma_wait3A_76] : memref<112x128xf32, #tpu.memory_space<vmem>> -> memref<80x128xf32, #tpu.memory_space<vmem>>
      tpu.wait_dma2 semaphore(%run_scoped3A_58 : memref<!tpu.dma_semaphore, #tpu.memory_space<semaphore_mem>>) src(%dma_wait3A_77 : memref<80x128xf32, #tpu.memory_space<vmem>>) dst(%dma_wait3A_74 : memref<80x128xf32, #tpu.memory_space<vmem_shared>>)
      tpu.yield
    }) : () -> ()
    %run_scoped3A = arith.constant 0 : i32
    %run_scoped3A_30 = arith.constant 0 : i32
    "tpu.region"() ({
      %run_scoped3A_58 = tpu.sem_alloc : memref<!tpu.dma_semaphore, #tpu.memory_space<semaphore_mem>>
      %dma_start3A_59 = arith.constant 0 : i32
      %dma_start3A_60 = arith.constant 0 : i32
      %dma_start3A_61 = tpu.memref_slice %arg6[%run_scoped3A_30, %dma_start3A_59, %dma_start3A_60] : memref<2x6x112xi32, #tpu.memory_space<vmem>> -> memref<1x6x112xi32, #tpu.memory_space<vmem>>
      %dma_start3A_62 = tpu.memref_squeeze %dma_start3A_61 : memref<1x6x112xi32, #tpu.memory_space<vmem>> -> memref<6x112xi32, #tpu.memory_space<vmem>>
      %dma_start3A_63 = arith.constant 0 : i32
      %dma_start3A_64 = arith.constant 0 : i32
      %dma_start3A_65 = tpu.memref_slice %arg3[%add3A, %run_scoped3A, %dma_start3A_63, %dma_start3A_64] : memref<32x15x6x112xi32, #tpu.memory_space<hbm>> -> memref<1x1x6x112xi32, #tpu.memory_space<hbm>>
      %dma_start3A_66 = tpu.memref_squeeze %dma_start3A_65 : memref<1x1x6x112xi32, #tpu.memory_space<hbm>> -> memref<6x112xi32, #tpu.memory_space<hbm>>
      %dma_start3A_67 = arith.constant 0 : i32
      %dma_start3A_68 = arith.constant 0 : i32
      %dma_start3A_69 = tpu.memref_slice %arg6[%run_scoped3A_30, %dma_start3A_67, %dma_start3A_68] : memref<2x6x112xi32, #tpu.memory_space<vmem>> -> memref<1x6x112xi32, #tpu.memory_space<vmem>>
      %dma_start3A_70 = tpu.memref_squeeze %dma_start3A_69 : memref<1x6x112xi32, #tpu.memory_space<vmem>> -> memref<6x112xi32, #tpu.memory_space<vmem>>
      %dma_start3A_71 = arith.constant 0 : i32
      %dma_start3A_72 = arith.constant 0 : i32
      %dma_start3A_73 = tpu.memref_slice %arg3[%add3A, %run_scoped3A, %dma_start3A_71, %dma_start3A_72] : memref<32x15x6x112xi32, #tpu.memory_space<hbm>> -> memref<1x1x6x112xi32, #tpu.memory_space<hbm>>
      %dma_start3A_74 = tpu.memref_squeeze %dma_start3A_73 : memref<1x1x6x112xi32, #tpu.memory_space<hbm>> -> memref<6x112xi32, #tpu.memory_space<hbm>>
      tpu.enqueue_dma source(%dma_start3A_74 : memref<6x112xi32, #tpu.memory_space<hbm>>) target(%dma_start3A_70 : memref<6x112xi32, #tpu.memory_space<vmem>>) target_semaphore(%run_scoped3A_58 : memref<!tpu.dma_semaphore, #tpu.memory_space<semaphore_mem>>)
      %dma_wait3A = arith.constant 0 : i32
      %dma_wait3A_75 = arith.constant 0 : i32
      %dma_wait3A_76 = tpu.memref_slice %arg6[%run_scoped3A_30, %dma_wait3A, %dma_wait3A_75] : memref<2x6x112xi32, #tpu.memory_space<vmem>> -> memref<1x6x112xi32, #tpu.memory_space<vmem>>
      %dma_wait3A_77 = tpu.memref_squeeze %dma_wait3A_76 : memref<1x6x112xi32, #tpu.memory_space<vmem>> -> memref<6x112xi32, #tpu.memory_space<vmem>>
      %dma_wait3A_78 = arith.constant 0 : i32
      %dma_wait3A_79 = arith.constant 0 : i32
      %dma_wait3A_80 = tpu.memref_slice %arg3[%add3A, %run_scoped3A, %dma_wait3A_78, %dma_wait3A_79] : memref<32x15x6x112xi32, #tpu.memory_space<hbm>> -> memref<1x1x6x112xi32, #tpu.memory_space<hbm>>
      %dma_wait3A_81 = tpu.memref_squeeze %dma_wait3A_80 : memref<1x1x6x112xi32, #tpu.memory_space<hbm>> -> memref<6x112xi32, #tpu.memory_space<hbm>>
      %dma_wait3A_82 = arith.constant 0 : i32
      %dma_wait3A_83 = arith.constant 0 : i32
      %dma_wait3A_84 = tpu.memref_slice %arg6[%run_scoped3A_30, %dma_wait3A_82, %dma_wait3A_83] : memref<2x6x112xi32, #tpu.memory_space<vmem>> -> memref<1x6x112xi32, #tpu.memory_space<vmem>>
      %dma_wait3A_85 = tpu.memref_squeeze %dma_wait3A_84 : memref<1x6x112xi32, #tpu.memory_space<vmem>> -> memref<6x112xi32, #tpu.memory_space<vmem>>
      %dma_wait3A_86 = arith.constant 0 : i32
      %dma_wait3A_87 = arith.constant 0 : i32
      %dma_wait3A_88 = tpu.memref_slice %arg3[%add3A, %run_scoped3A, %dma_wait3A_86, %dma_wait3A_87] : memref<32x15x6x112xi32, #tpu.memory_space<hbm>> -> memref<1x1x6x112xi32, #tpu.memory_space<hbm>>
      %dma_wait3A_89 = tpu.memref_squeeze %dma_wait3A_88 : memref<1x1x6x112xi32, #tpu.memory_space<hbm>> -> memref<6x112xi32, #tpu.memory_space<hbm>>
      tpu.wait_dma2 semaphore(%run_scoped3A_58 : memref<!tpu.dma_semaphore, #tpu.memory_space<semaphore_mem>>) src(%dma_wait3A_89 : memref<6x112xi32, #tpu.memory_space<hbm>>) dst(%dma_wait3A_85 : memref<6x112xi32, #tpu.memory_space<vmem>>)
      tpu.yield
    }) : () -> ()
    %run_scoped3A_31 = arith.constant 0 : i32
    %run_scoped3A_32 = arith.constant 0 : i32
    "tpu.region"() ({
      %run_scoped3A_58 = tpu.sem_alloc : memref<!tpu.dma_semaphore, #tpu.memory_space<semaphore_mem>>
      %dma_start3A_59 = arith.constant 0 : i32
      %dma_start3A_60 = arith.constant 0 : i32
      %dma_start3A_61 = tpu.memref_slice %arg7[%run_scoped3A_32, %dma_start3A_59, %dma_start3A_60] : memref<2x6x112xi32, #tpu.memory_space<vmem>> -> memref<1x6x112xi32, #tpu.memory_space<vmem>>
      %dma_start3A_62 = tpu.memref_squeeze %dma_start3A_61 : memref<1x6x112xi32, #tpu.memory_space<vmem>> -> memref<6x112xi32, #tpu.memory_space<vmem>>
      %dma_start3A_63 = arith.constant 0 : i32
      %dma_start3A_64 = arith.constant 0 : i32
      %dma_start3A_65 = tpu.memref_slice %arg4[%add3A, %run_scoped3A_31, %dma_start3A_63, %dma_start3A_64] : memref<32x15x6x112xi32, #tpu.memory_space<hbm>> -> memref<1x1x6x112xi32, #tpu.memory_space<hbm>>
      %dma_start3A_66 = tpu.memref_squeeze %dma_start3A_65 : memref<1x1x6x112xi32, #tpu.memory_space<hbm>> -> memref<6x112xi32, #tpu.memory_space<hbm>>
      %dma_start3A_67 = arith.constant 0 : i32
      %dma_start3A_68 = arith.constant 0 : i32
      %dma_start3A_69 = tpu.memref_slice %arg7[%run_scoped3A_32, %dma_start3A_67, %dma_start3A_68] : memref<2x6x112xi32, #tpu.memory_space<vmem>> -> memref<1x6x112xi32, #tpu.memory_space<vmem>>
      %dma_start3A_70 = tpu.memref_squeeze %dma_start3A_69 : memref<1x6x112xi32, #tpu.memory_space<vmem>> -> memref<6x112xi32, #tpu.memory_space<vmem>>
      %dma_start3A_71 = arith.constant 0 : i32
      %dma_start3A_72 = arith.constant 0 : i32
      %dma_start3A_73 = tpu.memref_slice %arg4[%add3A, %run_scoped3A_31, %dma_start3A_71, %dma_start3A_72] : memref<32x15x6x112xi32, #tpu.memory_space<hbm>> -> memref<1x1x6x112xi32, #tpu.memory_space<hbm>>
      %dma_start3A_74 = tpu.memref_squeeze %dma_start3A_73 : memref<1x1x6x112xi32, #tpu.memory_space<hbm>> -> memref<6x112xi32, #tpu.memory_space<hbm>>
      tpu.enqueue_dma source(%dma_start3A_74 : memref<6x112xi32, #tpu.memory_space<hbm>>) target(%dma_start3A_70 : memref<6x112xi32, #tpu.memory_space<vmem>>) target_semaphore(%run_scoped3A_58 : memref<!tpu.dma_semaphore, #tpu.memory_space<semaphore_mem>>)
      %dma_wait3A = arith.constant 0 : i32
      %dma_wait3A_75 = arith.constant 0 : i32
      %dma_wait3A_76 = tpu.memref_slice %arg7[%run_scoped3A_32, %dma_wait3A, %dma_wait3A_75] : memref<2x6x112xi32, #tpu.memory_space<vmem>> -> memref<1x6x112xi32, #tpu.memory_space<vmem>>
      %dma_wait3A_77 = tpu.memref_squeeze %dma_wait3A_76 : memref<1x6x112xi32, #tpu.memory_space<vmem>> -> memref<6x112xi32, #tpu.memory_space<vmem>>
      %dma_wait3A_78 = arith.constant 0 : i32
      %dma_wait3A_79 = arith.constant 0 : i32
      %dma_wait3A_80 = tpu.memref_slice %arg4[%add3A, %run_scoped3A_31, %dma_wait3A_78, %dma_wait3A_79] : memref<32x15x6x112xi32, #tpu.memory_space<hbm>> -> memref<1x1x6x112xi32, #tpu.memory_space<hbm>>
      %dma_wait3A_81 = tpu.memref_squeeze %dma_wait3A_80 : memref<1x1x6x112xi32, #tpu.memory_space<hbm>> -> memref<6x112xi32, #tpu.memory_space<hbm>>
      %dma_wait3A_82 = arith.constant 0 : i32
      %dma_wait3A_83 = arith.constant 0 : i32
      %dma_wait3A_84 = tpu.memref_slice %arg7[%run_scoped3A_32, %dma_wait3A_82, %dma_wait3A_83] : memref<2x6x112xi32, #tpu.memory_space<vmem>> -> memref<1x6x112xi32, #tpu.memory_space<vmem>>
      %dma_wait3A_85 = tpu.memref_squeeze %dma_wait3A_84 : memref<1x6x112xi32, #tpu.memory_space<vmem>> -> memref<6x112xi32, #tpu.memory_space<vmem>>
      %dma_wait3A_86 = arith.constant 0 : i32
      %dma_wait3A_87 = arith.constant 0 : i32
      %dma_wait3A_88 = tpu.memref_slice %arg4[%add3A, %run_scoped3A_31, %dma_wait3A_86, %dma_wait3A_87] : memref<32x15x6x112xi32, #tpu.memory_space<hbm>> -> memref<1x1x6x112xi32, #tpu.memory_space<hbm>>
      %dma_wait3A_89 = tpu.memref_squeeze %dma_wait3A_88 : memref<1x1x6x112xi32, #tpu.memory_space<hbm>> -> memref<6x112xi32, #tpu.memory_space<hbm>>
      tpu.wait_dma2 semaphore(%run_scoped3A_58 : memref<!tpu.dma_semaphore, #tpu.memory_space<semaphore_mem>>) src(%dma_wait3A_89 : memref<6x112xi32, #tpu.memory_space<hbm>>) dst(%dma_wait3A_85 : memref<6x112xi32, #tpu.memory_space<vmem>>)
      tpu.yield
    }) : () -> ()
    %barrier3A = arith.constant 0 : index
    tpu.barrier barrier_id(%barrier3A)
    %dma_start3A = arith.constant 0 : i32
    %dma_start3A_33 = arith.constant 0 : i32
    %dma_start3A_34 = arith.constant 0 : i32
    %dma_start3A_35 = tpu.memref_slice %arg6[%dma_start3A, %dma_start3A_33, %dma_start3A_34] : memref<2x6x112xi32, #tpu.memory_space<vmem>> -> memref<1x1x112xi32, #tpu.memory_space<vmem>>
    %dma_start3A_36 = tpu.memref_squeeze %dma_start3A_35 : memref<1x1x112xi32, #tpu.memory_space<vmem>> -> memref<112xi32, #tpu.memory_space<vmem>>
    %dma_start3A_37 = arith.constant 0 : i32
    %dma_start3A_38 = arith.constant 0 : i32
    %dma_start3A_39 = tpu.memref_slice %arg2[%dma_start3A_37, %dma_start3A_38] : memref<10240x128xf32, #tpu.memory_space<hbm>> -> memref<10240x128xf32, #tpu.memory_space<hbm>>
    tpu.enqueue_indirect_dma source(%dma_start3A_39 : memref<10240x128xf32, #tpu.memory_space<hbm>>) target(%arg8 : memref<112x128xf32, #tpu.memory_space<vmem>>) offsets(%dma_start3A_36 : memref<112xi32, #tpu.memory_space<vmem>>) semaphore(%arg12 : memref<!tpu.dma_semaphore, #tpu.memory_space<semaphore_mem>>)
    %dma_start3A_40 = arith.constant 0 : i32
    %dma_start3A_41 = arith.constant 1 : i32
    %dma_start3A_42 = arith.constant 0 : i32
    %dma_start3A_43 = tpu.memref_slice %arg6[%dma_start3A_40, %dma_start3A_41, %dma_start3A_42] : memref<2x6x112xi32, #tpu.memory_space<vmem>> -> memref<1x1x112xi32, #tpu.memory_space<vmem>>
    %dma_start3A_44 = tpu.memref_squeeze %dma_start3A_43 : memref<1x1x112xi32, #tpu.memory_space<vmem>> -> memref<112xi32, #tpu.memory_space<vmem>>
    %dma_start3A_45 = arith.constant 0 : i32
    %dma_start3A_46 = arith.constant 0 : i32
    %dma_start3A_47 = tpu.memref_slice %arg2[%dma_start3A_45, %dma_start3A_46] : memref<10240x128xf32, #tpu.memory_space<hbm>> -> memref<10240x128xf32, #tpu.memory_space<hbm>>
    tpu.enqueue_indirect_dma source(%dma_start3A_47 : memref<10240x128xf32, #tpu.memory_space<hbm>>) target(%arg9 : memref<112x128xf32, #tpu.memory_space<vmem>>) offsets(%dma_start3A_44 : memref<112xi32, #tpu.memory_space<vmem>>) semaphore(%arg12 : memref<!tpu.dma_semaphore, #tpu.memory_space<semaphore_mem>>)
    %scan3A_48 = arith.constant 0 : i32
    %scan3A_49 = arith.constant 15 : i32
    %scan3A_50 = arith.addi %scan3A_48, %scan3A_49 : i32
    %scan3A_51 = arith.constant 1 : i32
    scf.for %scan3A_58 = %scan3A_48 to %scan3A_50 step %scan3A_51  : i32 {
      %rem3A = arith.constant 2 : i32
      %rem3A_59 = arith.remsi %scan3A_58, %rem3A : i32
      %sub3A = arith.constant 1 : i32
      %sub3A_60 = arith.subi %sub3A, %rem3A_59 : i32
      %add3A_61 = arith.constant 1 : i32
      %add3A_62 = arith.addi %scan3A_58, %add3A_61 : i32
      %lt3A = arith.constant 15 : i32
      %lt3A_63 = arith.cmpi slt, %add3A_62, %lt3A : i32
      %convert_element_type3A = arith.extui %lt3A_63 : i1 to i32
      %cond3A = arith.constant 0 : i32
      %cond3A_64 = arith.cmpi ne, %convert_element_type3A, %cond3A : i32
      scf.if %cond3A_64 {
        %add3A_227 = arith.constant 1 : i32
        %add3A_228 = arith.addi %scan3A_58, %add3A_227 : i32
        %dma_start3A_229 = arith.constant 0 : i32
        %dma_start3A_230 = arith.constant 0 : i32
        %dma_start3A_231 = tpu.memref_slice %arg6[%sub3A_60, %dma_start3A_229, %dma_start3A_230] : memref<2x6x112xi32, #tpu.memory_space<vmem>> -> memref<1x6x112xi32, #tpu.memory_space<vmem>>
        %dma_start3A_232 = tpu.memref_squeeze %dma_start3A_231 : memref<1x6x112xi32, #tpu.memory_space<vmem>> -> memref<6x112xi32, #tpu.memory_space<vmem>>
        %dma_start3A_233 = arith.constant 0 : i32
        %dma_start3A_234 = arith.constant 0 : i32
        %dma_start3A_235 = tpu.memref_slice %arg3[%add3A, %add3A_228, %dma_start3A_233, %dma_start3A_234] : memref<32x15x6x112xi32, #tpu.memory_space<hbm>> -> memref<1x1x6x112xi32, #tpu.memory_space<hbm>>
        %dma_start3A_236 = tpu.memref_squeeze %dma_start3A_235 : memref<1x1x6x112xi32, #tpu.memory_space<hbm>> -> memref<6x112xi32, #tpu.memory_space<hbm>>
        %dma_start3A_237 = arith.constant 0 : i32
        %dma_start3A_238 = arith.constant 0 : i32
        %dma_start3A_239 = tpu.memref_slice %arg6[%sub3A_60, %dma_start3A_237, %dma_start3A_238] : memref<2x6x112xi32, #tpu.memory_space<vmem>> -> memref<1x6x112xi32, #tpu.memory_space<vmem>>
        %dma_start3A_240 = tpu.memref_squeeze %dma_start3A_239 : memref<1x6x112xi32, #tpu.memory_space<vmem>> -> memref<6x112xi32, #tpu.memory_space<vmem>>
        %dma_start3A_241 = arith.constant 0 : i32
        %dma_start3A_242 = arith.constant 0 : i32
        %dma_start3A_243 = tpu.memref_slice %arg3[%add3A, %add3A_228, %dma_start3A_241, %dma_start3A_242] : memref<32x15x6x112xi32, #tpu.memory_space<hbm>> -> memref<1x1x6x112xi32, #tpu.memory_space<hbm>>
        %dma_start3A_244 = tpu.memref_squeeze %dma_start3A_243 : memref<1x1x6x112xi32, #tpu.memory_space<hbm>> -> memref<6x112xi32, #tpu.memory_space<hbm>>
        tpu.enqueue_dma source(%dma_start3A_244 : memref<6x112xi32, #tpu.memory_space<hbm>>) target(%dma_start3A_240 : memref<6x112xi32, #tpu.memory_space<vmem>>) target_semaphore(%arg14 : memref<!tpu.dma_semaphore, #tpu.memory_space<semaphore_mem>>)
        %add3A_245 = arith.constant 1 : i32
        %add3A_246 = arith.addi %scan3A_58, %add3A_245 : i32
        %dma_start3A_247 = arith.constant 0 : i32
        %dma_start3A_248 = arith.constant 0 : i32
        %dma_start3A_249 = tpu.memref_slice %arg7[%sub3A_60, %dma_start3A_247, %dma_start3A_248] : memref<2x6x112xi32, #tpu.memory_space<vmem>> -> memref<1x6x112xi32, #tpu.memory_space<vmem>>
        %dma_start3A_250 = tpu.memref_squeeze %dma_start3A_249 : memref<1x6x112xi32, #tpu.memory_space<vmem>> -> memref<6x112xi32, #tpu.memory_space<vmem>>
        %dma_start3A_251 = arith.constant 0 : i32
        %dma_start3A_252 = arith.constant 0 : i32
        %dma_start3A_253 = tpu.memref_slice %arg4[%add3A, %add3A_246, %dma_start3A_251, %dma_start3A_252] : memref<32x15x6x112xi32, #tpu.memory_space<hbm>> -> memref<1x1x6x112xi32, #tpu.memory_space<hbm>>
        %dma_start3A_254 = tpu.memref_squeeze %dma_start3A_253 : memref<1x1x6x112xi32, #tpu.memory_space<hbm>> -> memref<6x112xi32, #tpu.memory_space<hbm>>
        %dma_start3A_255 = arith.constant 0 : i32
        %dma_start3A_256 = arith.constant 0 : i32
        %dma_start3A_257 = tpu.memref_slice %arg7[%sub3A_60, %dma_start3A_255, %dma_start3A_256] : memref<2x6x112xi32, #tpu.memory_space<vmem>> -> memref<1x6x112xi32, #tpu.memory_space<vmem>>
        %dma_start3A_258 = tpu.memref_squeeze %dma_start3A_257 : memref<1x6x112xi32, #tpu.memory_space<vmem>> -> memref<6x112xi32, #tpu.memory_space<vmem>>
        %dma_start3A_259 = arith.constant 0 : i32
        %dma_start3A_260 = arith.constant 0 : i32
        %dma_start3A_261 = tpu.memref_slice %arg4[%add3A, %add3A_246, %dma_start3A_259, %dma_start3A_260] : memref<32x15x6x112xi32, #tpu.memory_space<hbm>> -> memref<1x1x6x112xi32, #tpu.memory_space<hbm>>
        %dma_start3A_262 = tpu.memref_squeeze %dma_start3A_261 : memref<1x1x6x112xi32, #tpu.memory_space<hbm>> -> memref<6x112xi32, #tpu.memory_space<hbm>>
        tpu.enqueue_dma source(%dma_start3A_262 : memref<6x112xi32, #tpu.memory_space<hbm>>) target(%dma_start3A_258 : memref<6x112xi32, #tpu.memory_space<vmem>>) target_semaphore(%arg14 : memref<!tpu.dma_semaphore, #tpu.memory_space<semaphore_mem>>)
      } else {
      }
      %dma_wait3A = arith.constant 0 : i32
      %dma_wait3A_65 = arith.constant 0 : i32
      %dma_wait3A_66 = tpu.memref_slice %arg6[%rem3A_59, %dma_wait3A, %dma_wait3A_65] : memref<2x6x112xi32, #tpu.memory_space<vmem>> -> memref<1x1x112xi32, #tpu.memory_space<vmem>>
      %dma_wait3A_67 = tpu.memref_squeeze %dma_wait3A_66 : memref<1x1x112xi32, #tpu.memory_space<vmem>> -> memref<112xi32, #tpu.memory_space<vmem>>
      %dma_wait3A_68 = arith.constant 0 : i32
      %dma_wait3A_69 = arith.constant 0 : i32
      %dma_wait3A_70 = tpu.memref_slice %arg2[%dma_wait3A_68, %dma_wait3A_69] : memref<10240x128xf32, #tpu.memory_space<hbm>> -> memref<10240x128xf32, #tpu.memory_space<hbm>>
      tpu.wait_indirect_dma semaphore(%arg12 : memref<!tpu.dma_semaphore, #tpu.memory_space<semaphore_mem>>) src(%dma_wait3A_70 : memref<10240x128xf32, #tpu.memory_space<hbm>>) dst(%arg8 : memref<112x128xf32, #tpu.memory_space<vmem>>)
      %dma_start3A_71 = arith.constant 2 : i32
      %dma_start3A_72 = arith.constant 0 : i32
      %dma_start3A_73 = tpu.memref_slice %arg6[%rem3A_59, %dma_start3A_71, %dma_start3A_72] : memref<2x6x112xi32, #tpu.memory_space<vmem>> -> memref<1x1x112xi32, #tpu.memory_space<vmem>>
      %dma_start3A_74 = tpu.memref_squeeze %dma_start3A_73 : memref<1x1x112xi32, #tpu.memory_space<vmem>> -> memref<112xi32, #tpu.memory_space<vmem>>
      %dma_start3A_75 = arith.constant 0 : i32
      %dma_start3A_76 = arith.constant 0 : i32
      %dma_start3A_77 = tpu.memref_slice %arg2[%dma_start3A_75, %dma_start3A_76] : memref<10240x128xf32, #tpu.memory_space<hbm>> -> memref<10240x128xf32, #tpu.memory_space<hbm>>
      tpu.enqueue_indirect_dma source(%dma_start3A_77 : memref<10240x128xf32, #tpu.memory_space<hbm>>) target(%arg10 : memref<112x128xf32, #tpu.memory_space<vmem>>) offsets(%dma_start3A_74 : memref<112xi32, #tpu.memory_space<vmem>>) semaphore(%arg12 : memref<!tpu.dma_semaphore, #tpu.memory_space<semaphore_mem>>)
      %dma_start3A_78 = arith.constant 0 : i32
      %dma_start3A_79 = arith.constant 0 : i32
      %dma_start3A_80 = tpu.memref_slice %arg7[%rem3A_59, %dma_start3A_78, %dma_start3A_79] : memref<2x6x112xi32, #tpu.memory_space<vmem>> -> memref<1x1x112xi32, #tpu.memory_space<vmem>>
      %dma_start3A_81 = tpu.memref_squeeze %dma_start3A_80 : memref<1x1x112xi32, #tpu.memory_space<vmem>> -> memref<112xi32, #tpu.memory_space<vmem>>
      %dma_start3A_82 = arith.constant 0 : i32
      %dma_start3A_83 = arith.constant 0 : i32
      %dma_start3A_84 = tpu.memref_slice %arg11[%dma_start3A_82, %dma_start3A_83] : memref<10240x128xf32, #tpu.memory_space<vmem_shared>> -> memref<10240x128xf32, #tpu.memory_space<vmem_shared>>
      tpu.enqueue_indirect_dma source(%arg8 : memref<112x128xf32, #tpu.memory_space<vmem>>) target(%dma_start3A_84 : memref<10240x128xf32, #tpu.memory_space<vmem_shared>>) offsets(%dma_start3A_81 : memref<112xi32, #tpu.memory_space<vmem>>) semaphore(%arg13 : memref<!tpu.dma_semaphore, #tpu.memory_space<semaphore_mem>>) {add = true}
      %dma_wait3A_85 = arith.constant 1 : i32
      %dma_wait3A_86 = arith.constant 0 : i32
      %dma_wait3A_87 = tpu.memref_slice %arg6[%rem3A_59, %dma_wait3A_85, %dma_wait3A_86] : memref<2x6x112xi32, #tpu.memory_space<vmem>> -> memref<1x1x112xi32, #tpu.memory_space<vmem>>
      %dma_wait3A_88 = tpu.memref_squeeze %dma_wait3A_87 : memref<1x1x112xi32, #tpu.memory_space<vmem>> -> memref<112xi32, #tpu.memory_space<vmem>>
      %dma_wait3A_89 = arith.constant 0 : i32
      %dma_wait3A_90 = arith.constant 0 : i32
      %dma_wait3A_91 = tpu.memref_slice %arg2[%dma_wait3A_89, %dma_wait3A_90] : memref<10240x128xf32, #tpu.memory_space<hbm>> -> memref<10240x128xf32, #tpu.memory_space<hbm>>
      tpu.wait_indirect_dma semaphore(%arg12 : memref<!tpu.dma_semaphore, #tpu.memory_space<semaphore_mem>>) src(%dma_wait3A_91 : memref<10240x128xf32, #tpu.memory_space<hbm>>) dst(%arg9 : memref<112x128xf32, #tpu.memory_space<vmem>>)
      %dma_wait3A_92 = arith.constant 0 : i32
      %dma_wait3A_93 = arith.constant 0 : i32
      %dma_wait3A_94 = tpu.memref_slice %arg7[%rem3A_59, %dma_wait3A_92, %dma_wait3A_93] : memref<2x6x112xi32, #tpu.memory_space<vmem>> -> memref<1x1x112xi32, #tpu.memory_space<vmem>>
      %dma_wait3A_95 = tpu.memref_squeeze %dma_wait3A_94 : memref<1x1x112xi32, #tpu.memory_space<vmem>> -> memref<112xi32, #tpu.memory_space<vmem>>
      %dma_wait3A_96 = arith.constant 0 : i32
      %dma_wait3A_97 = arith.constant 0 : i32
      %dma_wait3A_98 = tpu.memref_slice %arg11[%dma_wait3A_96, %dma_wait3A_97] : memref<10240x128xf32, #tpu.memory_space<vmem_shared>> -> memref<10240x128xf32, #tpu.memory_space<vmem_shared>>
      tpu.wait_indirect_dma semaphore(%arg13 : memref<!tpu.dma_semaphore, #tpu.memory_space<semaphore_mem>>) src(%arg8 : memref<112x128xf32, #tpu.memory_space<vmem>>) dst(%dma_wait3A_98 : memref<10240x128xf32, #tpu.memory_space<vmem_shared>>)
      %dma_start3A_99 = arith.constant 3 : i32
      %dma_start3A_100 = arith.constant 0 : i32
      %dma_start3A_101 = tpu.memref_slice %arg6[%rem3A_59, %dma_start3A_99, %dma_start3A_100] : memref<2x6x112xi32, #tpu.memory_space<vmem>> -> memref<1x1x112xi32, #tpu.memory_space<vmem>>
      %dma_start3A_102 = tpu.memref_squeeze %dma_start3A_101 : memref<1x1x112xi32, #tpu.memory_space<vmem>> -> memref<112xi32, #tpu.memory_space<vmem>>
      %dma_start3A_103 = arith.constant 0 : i32
      %dma_start3A_104 = arith.constant 0 : i32
      %dma_start3A_105 = tpu.memref_slice %arg2[%dma_start3A_103, %dma_start3A_104] : memref<10240x128xf32, #tpu.memory_space<hbm>> -> memref<10240x128xf32, #tpu.memory_space<hbm>>
      tpu.enqueue_indirect_dma source(%dma_start3A_105 : memref<10240x128xf32, #tpu.memory_space<hbm>>) target(%arg8 : memref<112x128xf32, #tpu.memory_space<vmem>>) offsets(%dma_start3A_102 : memref<112xi32, #tpu.memory_space<vmem>>) semaphore(%arg12 : memref<!tpu.dma_semaphore, #tpu.memory_space<semaphore_mem>>)
      %dma_start3A_106 = arith.constant 1 : i32
      %dma_start3A_107 = arith.constant 0 : i32
      %dma_start3A_108 = tpu.memref_slice %arg7[%rem3A_59, %dma_start3A_106, %dma_start3A_107] : memref<2x6x112xi32, #tpu.memory_space<vmem>> -> memref<1x1x112xi32, #tpu.memory_space<vmem>>
      %dma_start3A_109 = tpu.memref_squeeze %dma_start3A_108 : memref<1x1x112xi32, #tpu.memory_space<vmem>> -> memref<112xi32, #tpu.memory_space<vmem>>
      %dma_start3A_110 = arith.constant 0 : i32
      %dma_start3A_111 = arith.constant 0 : i32
      %dma_start3A_112 = tpu.memref_slice %arg11[%dma_start3A_110, %dma_start3A_111] : memref<10240x128xf32, #tpu.memory_space<vmem_shared>> -> memref<10240x128xf32, #tpu.memory_space<vmem_shared>>
      tpu.enqueue_indirect_dma source(%arg9 : memref<112x128xf32, #tpu.memory_space<vmem>>) target(%dma_start3A_112 : memref<10240x128xf32, #tpu.memory_space<vmem_shared>>) offsets(%dma_start3A_109 : memref<112xi32, #tpu.memory_space<vmem>>) semaphore(%arg13 : memref<!tpu.dma_semaphore, #tpu.memory_space<semaphore_mem>>) {add = true}
      %dma_wait3A_113 = arith.constant 2 : i32
      %dma_wait3A_114 = arith.constant 0 : i32
      %dma_wait3A_115 = tpu.memref_slice %arg6[%rem3A_59, %dma_wait3A_113, %dma_wait3A_114] : memref<2x6x112xi32, #tpu.memory_space<vmem>> -> memref<1x1x112xi32, #tpu.memory_space<vmem>>
      %dma_wait3A_116 = tpu.memref_squeeze %dma_wait3A_115 : memref<1x1x112xi32, #tpu.memory_space<vmem>> -> memref<112xi32, #tpu.memory_space<vmem>>
      %dma_wait3A_117 = arith.constant 0 : i32
      %dma_wait3A_118 = arith.constant 0 : i32
      %dma_wait3A_119 = tpu.memref_slice %arg2[%dma_wait3A_117, %dma_wait3A_118] : memref<10240x128xf32, #tpu.memory_space<hbm>> -> memref<10240x128xf32, #tpu.memory_space<hbm>>
      tpu.wait_indirect_dma semaphore(%arg12 : memref<!tpu.dma_semaphore, #tpu.memory_space<semaphore_mem>>) src(%dma_wait3A_119 : memref<10240x128xf32, #tpu.memory_space<hbm>>) dst(%arg10 : memref<112x128xf32, #tpu.memory_space<vmem>>)
      %dma_wait3A_120 = arith.constant 1 : i32
      %dma_wait3A_121 = arith.constant 0 : i32
      %dma_wait3A_122 = tpu.memref_slice %arg7[%rem3A_59, %dma_wait3A_120, %dma_wait3A_121] : memref<2x6x112xi32, #tpu.memory_space<vmem>> -> memref<1x1x112xi32, #tpu.memory_space<vmem>>
      %dma_wait3A_123 = tpu.memref_squeeze %dma_wait3A_122 : memref<1x1x112xi32, #tpu.memory_space<vmem>> -> memref<112xi32, #tpu.memory_space<vmem>>
      %dma_wait3A_124 = arith.constant 0 : i32
      %dma_wait3A_125 = arith.constant 0 : i32
      %dma_wait3A_126 = tpu.memref_slice %arg11[%dma_wait3A_124, %dma_wait3A_125] : memref<10240x128xf32, #tpu.memory_space<vmem_shared>> -> memref<10240x128xf32, #tpu.memory_space<vmem_shared>>
      tpu.wait_indirect_dma semaphore(%arg13 : memref<!tpu.dma_semaphore, #tpu.memory_space<semaphore_mem>>) src(%arg9 : memref<112x128xf32, #tpu.memory_space<vmem>>) dst(%dma_wait3A_126 : memref<10240x128xf32, #tpu.memory_space<vmem_shared>>)
      %dma_start3A_127 = arith.constant 4 : i32
      %dma_start3A_128 = arith.constant 0 : i32
      %dma_start3A_129 = tpu.memref_slice %arg6[%rem3A_59, %dma_start3A_127, %dma_start3A_128] : memref<2x6x112xi32, #tpu.memory_space<vmem>> -> memref<1x1x112xi32, #tpu.memory_space<vmem>>
      %dma_start3A_130 = tpu.memref_squeeze %dma_start3A_129 : memref<1x1x112xi32, #tpu.memory_space<vmem>> -> memref<112xi32, #tpu.memory_space<vmem>>
      %dma_start3A_131 = arith.constant 0 : i32
      %dma_start3A_132 = arith.constant 0 : i32
      %dma_start3A_133 = tpu.memref_slice %arg2[%dma_start3A_131, %dma_start3A_132] : memref<10240x128xf32, #tpu.memory_space<hbm>> -> memref<10240x128xf32, #tpu.memory_space<hbm>>
      tpu.enqueue_indirect_dma source(%dma_start3A_133 : memref<10240x128xf32, #tpu.memory_space<hbm>>) target(%arg9 : memref<112x128xf32, #tpu.memory_space<vmem>>) offsets(%dma_start3A_130 : memref<112xi32, #tpu.memory_space<vmem>>) semaphore(%arg12 : memref<!tpu.dma_semaphore, #tpu.memory_space<semaphore_mem>>)
      %dma_start3A_134 = arith.constant 2 : i32
      %dma_start3A_135 = arith.constant 0 : i32
      %dma_start3A_136 = tpu.memref_slice %arg7[%rem3A_59, %dma_start3A_134, %dma_start3A_135] : memref<2x6x112xi32, #tpu.memory_space<vmem>> -> memref<1x1x112xi32, #tpu.memory_space<vmem>>
      %dma_start3A_137 = tpu.memref_squeeze %dma_start3A_136 : memref<1x1x112xi32, #tpu.memory_space<vmem>> -> memref<112xi32, #tpu.memory_space<vmem>>
      %dma_start3A_138 = arith.constant 0 : i32
      %dma_start3A_139 = arith.constant 0 : i32
      %dma_start3A_140 = tpu.memref_slice %arg11[%dma_start3A_138, %dma_start3A_139] : memref<10240x128xf32, #tpu.memory_space<vmem_shared>> -> memref<10240x128xf32, #tpu.memory_space<vmem_shared>>
      tpu.enqueue_indirect_dma source(%arg10 : memref<112x128xf32, #tpu.memory_space<vmem>>) target(%dma_start3A_140 : memref<10240x128xf32, #tpu.memory_space<vmem_shared>>) offsets(%dma_start3A_137 : memref<112xi32, #tpu.memory_space<vmem>>) semaphore(%arg13 : memref<!tpu.dma_semaphore, #tpu.memory_space<semaphore_mem>>) {add = true}
      %dma_wait3A_141 = arith.constant 3 : i32
      %dma_wait3A_142 = arith.constant 0 : i32
      %dma_wait3A_143 = tpu.memref_slice %arg6[%rem3A_59, %dma_wait3A_141, %dma_wait3A_142] : memref<2x6x112xi32, #tpu.memory_space<vmem>> -> memref<1x1x112xi32, #tpu.memory_space<vmem>>
      %dma_wait3A_144 = tpu.memref_squeeze %dma_wait3A_143 : memref<1x1x112xi32, #tpu.memory_space<vmem>> -> memref<112xi32, #tpu.memory_space<vmem>>
      %dma_wait3A_145 = arith.constant 0 : i32
      %dma_wait3A_146 = arith.constant 0 : i32
      %dma_wait3A_147 = tpu.memref_slice %arg2[%dma_wait3A_145, %dma_wait3A_146] : memref<10240x128xf32, #tpu.memory_space<hbm>> -> memref<10240x128xf32, #tpu.memory_space<hbm>>
      tpu.wait_indirect_dma semaphore(%arg12 : memref<!tpu.dma_semaphore, #tpu.memory_space<semaphore_mem>>) src(%dma_wait3A_147 : memref<10240x128xf32, #tpu.memory_space<hbm>>) dst(%arg8 : memref<112x128xf32, #tpu.memory_space<vmem>>)
      %dma_wait3A_148 = arith.constant 2 : i32
      %dma_wait3A_149 = arith.constant 0 : i32
      %dma_wait3A_150 = tpu.memref_slice %arg7[%rem3A_59, %dma_wait3A_148, %dma_wait3A_149] : memref<2x6x112xi32, #tpu.memory_space<vmem>> -> memref<1x1x112xi32, #tpu.memory_space<vmem>>
      %dma_wait3A_151 = tpu.memref_squeeze %dma_wait3A_150 : memref<1x1x112xi32, #tpu.memory_space<vmem>> -> memref<112xi32, #tpu.memory_space<vmem>>
      %dma_wait3A_152 = arith.constant 0 : i32
      %dma_wait3A_153 = arith.constant 0 : i32
      %dma_wait3A_154 = tpu.memref_slice %arg11[%dma_wait3A_152, %dma_wait3A_153] : memref<10240x128xf32, #tpu.memory_space<vmem_shared>> -> memref<10240x128xf32, #tpu.memory_space<vmem_shared>>
      tpu.wait_indirect_dma semaphore(%arg13 : memref<!tpu.dma_semaphore, #tpu.memory_space<semaphore_mem>>) src(%arg10 : memref<112x128xf32, #tpu.memory_space<vmem>>) dst(%dma_wait3A_154 : memref<10240x128xf32, #tpu.memory_space<vmem_shared>>)
      %dma_start3A_155 = arith.constant 5 : i32
      %dma_start3A_156 = arith.constant 0 : i32
      %dma_start3A_157 = tpu.memref_slice %arg6[%rem3A_59, %dma_start3A_155, %dma_start3A_156] : memref<2x6x112xi32, #tpu.memory_space<vmem>> -> memref<1x1x112xi32, #tpu.memory_space<vmem>>
      %dma_start3A_158 = tpu.memref_squeeze %dma_start3A_157 : memref<1x1x112xi32, #tpu.memory_space<vmem>> -> memref<112xi32, #tpu.memory_space<vmem>>
      %dma_start3A_159 = arith.constant 0 : i32
      %dma_start3A_160 = arith.constant 0 : i32
      %dma_start3A_161 = tpu.memref_slice %arg2[%dma_start3A_159, %dma_start3A_160] : memref<10240x128xf32, #tpu.memory_space<hbm>> -> memref<10240x128xf32, #tpu.memory_space<hbm>>
      tpu.enqueue_indirect_dma source(%dma_start3A_161 : memref<10240x128xf32, #tpu.memory_space<hbm>>) target(%arg10 : memref<112x128xf32, #tpu.memory_space<vmem>>) offsets(%dma_start3A_158 : memref<112xi32, #tpu.memory_space<vmem>>) semaphore(%arg12 : memref<!tpu.dma_semaphore, #tpu.memory_space<semaphore_mem>>)
      %dma_start3A_162 = arith.constant 3 : i32
      %dma_start3A_163 = arith.constant 0 : i32
      %dma_start3A_164 = tpu.memref_slice %arg7[%rem3A_59, %dma_start3A_162, %dma_start3A_163] : memref<2x6x112xi32, #tpu.memory_space<vmem>> -> memref<1x1x112xi32, #tpu.memory_space<vmem>>
      %dma_start3A_165 = tpu.memref_squeeze %dma_start3A_164 : memref<1x1x112xi32, #tpu.memory_space<vmem>> -> memref<112xi32, #tpu.memory_space<vmem>>
      %dma_start3A_166 = arith.constant 0 : i32
      %dma_start3A_167 = arith.constant 0 : i32
      %dma_start3A_168 = tpu.memref_slice %arg11[%dma_start3A_166, %dma_start3A_167] : memref<10240x128xf32, #tpu.memory_space<vmem_shared>> -> memref<10240x128xf32, #tpu.memory_space<vmem_shared>>
      tpu.enqueue_indirect_dma source(%arg8 : memref<112x128xf32, #tpu.memory_space<vmem>>) target(%dma_start3A_168 : memref<10240x128xf32, #tpu.memory_space<vmem_shared>>) offsets(%dma_start3A_165 : memref<112xi32, #tpu.memory_space<vmem>>) semaphore(%arg13 : memref<!tpu.dma_semaphore, #tpu.memory_space<semaphore_mem>>) {add = true}
      %dma_wait3A_169 = arith.constant 4 : i32
      %dma_wait3A_170 = arith.constant 0 : i32
      %dma_wait3A_171 = tpu.memref_slice %arg6[%rem3A_59, %dma_wait3A_169, %dma_wait3A_170] : memref<2x6x112xi32, #tpu.memory_space<vmem>> -> memref<1x1x112xi32, #tpu.memory_space<vmem>>
      %dma_wait3A_172 = tpu.memref_squeeze %dma_wait3A_171 : memref<1x1x112xi32, #tpu.memory_space<vmem>> -> memref<112xi32, #tpu.memory_space<vmem>>
      %dma_wait3A_173 = arith.constant 0 : i32
      %dma_wait3A_174 = arith.constant 0 : i32
      %dma_wait3A_175 = tpu.memref_slice %arg2[%dma_wait3A_173, %dma_wait3A_174] : memref<10240x128xf32, #tpu.memory_space<hbm>> -> memref<10240x128xf32, #tpu.memory_space<hbm>>
      tpu.wait_indirect_dma semaphore(%arg12 : memref<!tpu.dma_semaphore, #tpu.memory_space<semaphore_mem>>) src(%dma_wait3A_175 : memref<10240x128xf32, #tpu.memory_space<hbm>>) dst(%arg9 : memref<112x128xf32, #tpu.memory_space<vmem>>)
      %dma_wait3A_176 = arith.constant 3 : i32
      %dma_wait3A_177 = arith.constant 0 : i32
      %dma_wait3A_178 = tpu.memref_slice %arg7[%rem3A_59, %dma_wait3A_176, %dma_wait3A_177] : memref<2x6x112xi32, #tpu.memory_space<vmem>> -> memref<1x1x112xi32, #tpu.memory_space<vmem>>
      %dma_wait3A_179 = tpu.memref_squeeze %dma_wait3A_178 : memref<1x1x112xi32, #tpu.memory_space<vmem>> -> memref<112xi32, #tpu.memory_space<vmem>>
      %dma_wait3A_180 = arith.constant 0 : i32
      %dma_wait3A_181 = arith.constant 0 : i32
      %dma_wait3A_182 = tpu.memref_slice %arg11[%dma_wait3A_180, %dma_wait3A_181] : memref<10240x128xf32, #tpu.memory_space<vmem_shared>> -> memref<10240x128xf32, #tpu.memory_space<vmem_shared>>
      tpu.wait_indirect_dma semaphore(%arg13 : memref<!tpu.dma_semaphore, #tpu.memory_space<semaphore_mem>>) src(%arg8 : memref<112x128xf32, #tpu.memory_space<vmem>>) dst(%dma_wait3A_182 : memref<10240x128xf32, #tpu.memory_space<vmem_shared>>)
      %convert_element_type3A_183 = arith.extui %lt3A_63 : i1 to i32
      %cond3A_184 = arith.constant 0 : i32
      %cond3A_185 = arith.cmpi ne, %convert_element_type3A_183, %cond3A_184 : i32
      scf.if %cond3A_185 {
        %add3A_227 = arith.constant 1 : i32
        %add3A_228 = arith.addi %scan3A_58, %add3A_227 : i32
        %dma_wait3A_229 = arith.constant 0 : i32
        %dma_wait3A_230 = arith.constant 0 : i32
        %dma_wait3A_231 = tpu.memref_slice %arg6[%sub3A_60, %dma_wait3A_229, %dma_wait3A_230] : memref<2x6x112xi32, #tpu.memory_space<vmem>> -> memref<1x6x112xi32, #tpu.memory_space<vmem>>
        %dma_wait3A_232 = tpu.memref_squeeze %dma_wait3A_231 : memref<1x6x112xi32, #tpu.memory_space<vmem>> -> memref<6x112xi32, #tpu.memory_space<vmem>>
        %dma_wait3A_233 = arith.constant 0 : i32
        %dma_wait3A_234 = arith.constant 0 : i32
        %dma_wait3A_235 = tpu.memref_slice %arg3[%add3A, %add3A_228, %dma_wait3A_233, %dma_wait3A_234] : memref<32x15x6x112xi32, #tpu.memory_space<hbm>> -> memref<1x1x6x112xi32, #tpu.memory_space<hbm>>
        %dma_wait3A_236 = tpu.memref_squeeze %dma_wait3A_235 : memref<1x1x6x112xi32, #tpu.memory_space<hbm>> -> memref<6x112xi32, #tpu.memory_space<hbm>>
        %dma_wait3A_237 = arith.constant 0 : i32
        %dma_wait3A_238 = arith.constant 0 : i32
        %dma_wait3A_239 = tpu.memref_slice %arg6[%sub3A_60, %dma_wait3A_237, %dma_wait3A_238] : memref<2x6x112xi32, #tpu.memory_space<vmem>> -> memref<1x6x112xi32, #tpu.memory_space<vmem>>
        %dma_wait3A_240 = tpu.memref_squeeze %dma_wait3A_239 : memref<1x6x112xi32, #tpu.memory_space<vmem>> -> memref<6x112xi32, #tpu.memory_space<vmem>>
        %dma_wait3A_241 = arith.constant 0 : i32
        %dma_wait3A_242 = arith.constant 0 : i32
        %dma_wait3A_243 = tpu.memref_slice %arg3[%add3A, %add3A_228, %dma_wait3A_241, %dma_wait3A_242] : memref<32x15x6x112xi32, #tpu.memory_space<hbm>> -> memref<1x1x6x112xi32, #tpu.memory_space<hbm>>
        %dma_wait3A_244 = tpu.memref_squeeze %dma_wait3A_243 : memref<1x1x6x112xi32, #tpu.memory_space<hbm>> -> memref<6x112xi32, #tpu.memory_space<hbm>>
        tpu.wait_dma2 semaphore(%arg14 : memref<!tpu.dma_semaphore, #tpu.memory_space<semaphore_mem>>) src(%dma_wait3A_244 : memref<6x112xi32, #tpu.memory_space<hbm>>) dst(%dma_wait3A_240 : memref<6x112xi32, #tpu.memory_space<vmem>>)
        %add3A_245 = arith.constant 1 : i32
        %add3A_246 = arith.addi %scan3A_58, %add3A_245 : i32
        %dma_wait3A_247 = arith.constant 0 : i32
        %dma_wait3A_248 = arith.constant 0 : i32
        %dma_wait3A_249 = tpu.memref_slice %arg7[%sub3A_60, %dma_wait3A_247, %dma_wait3A_248] : memref<2x6x112xi32, #tpu.memory_space<vmem>> -> memref<1x6x112xi32, #tpu.memory_space<vmem>>
        %dma_wait3A_250 = tpu.memref_squeeze %dma_wait3A_249 : memref<1x6x112xi32, #tpu.memory_space<vmem>> -> memref<6x112xi32, #tpu.memory_space<vmem>>
        %dma_wait3A_251 = arith.constant 0 : i32
        %dma_wait3A_252 = arith.constant 0 : i32
        %dma_wait3A_253 = tpu.memref_slice %arg4[%add3A, %add3A_246, %dma_wait3A_251, %dma_wait3A_252] : memref<32x15x6x112xi32, #tpu.memory_space<hbm>> -> memref<1x1x6x112xi32, #tpu.memory_space<hbm>>
        %dma_wait3A_254 = tpu.memref_squeeze %dma_wait3A_253 : memref<1x1x6x112xi32, #tpu.memory_space<hbm>> -> memref<6x112xi32, #tpu.memory_space<hbm>>
        %dma_wait3A_255 = arith.constant 0 : i32
        %dma_wait3A_256 = arith.constant 0 : i32
        %dma_wait3A_257 = tpu.memref_slice %arg7[%sub3A_60, %dma_wait3A_255, %dma_wait3A_256] : memref<2x6x112xi32, #tpu.memory_space<vmem>> -> memref<1x6x112xi32, #tpu.memory_space<vmem>>
        %dma_wait3A_258 = tpu.memref_squeeze %dma_wait3A_257 : memref<1x6x112xi32, #tpu.memory_space<vmem>> -> memref<6x112xi32, #tpu.memory_space<vmem>>
        %dma_wait3A_259 = arith.constant 0 : i32
        %dma_wait3A_260 = arith.constant 0 : i32
        %dma_wait3A_261 = tpu.memref_slice %arg4[%add3A, %add3A_246, %dma_wait3A_259, %dma_wait3A_260] : memref<32x15x6x112xi32, #tpu.memory_space<hbm>> -> memref<1x1x6x112xi32, #tpu.memory_space<hbm>>
        %dma_wait3A_262 = tpu.memref_squeeze %dma_wait3A_261 : memref<1x1x6x112xi32, #tpu.memory_space<hbm>> -> memref<6x112xi32, #tpu.memory_space<hbm>>
        tpu.wait_dma2 semaphore(%arg14 : memref<!tpu.dma_semaphore, #tpu.memory_space<semaphore_mem>>) src(%dma_wait3A_262 : memref<6x112xi32, #tpu.memory_space<hbm>>) dst(%dma_wait3A_258 : memref<6x112xi32, #tpu.memory_space<vmem>>)
      } else {
      }
      %convert_element_type3A_186 = arith.extui %lt3A_63 : i1 to i32
      %cond3A_187 = arith.constant 0 : i32
      %cond3A_188 = arith.cmpi ne, %convert_element_type3A_186, %cond3A_187 : i32
      scf.if %cond3A_188 {
        %dma_start3A_227 = arith.constant 0 : i32
        %dma_start3A_228 = arith.constant 0 : i32
        %dma_start3A_229 = tpu.memref_slice %arg6[%sub3A_60, %dma_start3A_227, %dma_start3A_228] : memref<2x6x112xi32, #tpu.memory_space<vmem>> -> memref<1x1x112xi32, #tpu.memory_space<vmem>>
        %dma_start3A_230 = tpu.memref_squeeze %dma_start3A_229 : memref<1x1x112xi32, #tpu.memory_space<vmem>> -> memref<112xi32, #tpu.memory_space<vmem>>
        %dma_start3A_231 = arith.constant 0 : i32
        %dma_start3A_232 = arith.constant 0 : i32
        %dma_start3A_233 = tpu.memref_slice %arg2[%dma_start3A_231, %dma_start3A_232] : memref<10240x128xf32, #tpu.memory_space<hbm>> -> memref<10240x128xf32, #tpu.memory_space<hbm>>
        tpu.enqueue_indirect_dma source(%dma_start3A_233 : memref<10240x128xf32, #tpu.memory_space<hbm>>) target(%arg8 : memref<112x128xf32, #tpu.memory_space<vmem>>) offsets(%dma_start3A_230 : memref<112xi32, #tpu.memory_space<vmem>>) semaphore(%arg12 : memref<!tpu.dma_semaphore, #tpu.memory_space<semaphore_mem>>)
      } else {
      }
      %dma_start3A_189 = arith.constant 4 : i32
      %dma_start3A_190 = arith.constant 0 : i32
      %dma_start3A_191 = tpu.memref_slice %arg7[%rem3A_59, %dma_start3A_189, %dma_start3A_190] : memref<2x6x112xi32, #tpu.memory_space<vmem>> -> memref<1x1x112xi32, #tpu.memory_space<vmem>>
      %dma_start3A_192 = tpu.memref_squeeze %dma_start3A_191 : memref<1x1x112xi32, #tpu.memory_space<vmem>> -> memref<112xi32, #tpu.memory_space<vmem>>
      %dma_start3A_193 = arith.constant 0 : i32
      %dma_start3A_194 = arith.constant 0 : i32
      %dma_start3A_195 = tpu.memref_slice %arg11[%dma_start3A_193, %dma_start3A_194] : memref<10240x128xf32, #tpu.memory_space<vmem_shared>> -> memref<10240x128xf32, #tpu.memory_space<vmem_shared>>
      tpu.enqueue_indirect_dma source(%arg9 : memref<112x128xf32, #tpu.memory_space<vmem>>) target(%dma_start3A_195 : memref<10240x128xf32, #tpu.memory_space<vmem_shared>>) offsets(%dma_start3A_192 : memref<112xi32, #tpu.memory_space<vmem>>) semaphore(%arg13 : memref<!tpu.dma_semaphore, #tpu.memory_space<semaphore_mem>>) {add = true}
      %dma_wait3A_196 = arith.constant 5 : i32
      %dma_wait3A_197 = arith.constant 0 : i32
      %dma_wait3A_198 = tpu.memref_slice %arg6[%rem3A_59, %dma_wait3A_196, %dma_wait3A_197] : memref<2x6x112xi32, #tpu.memory_space<vmem>> -> memref<1x1x112xi32, #tpu.memory_space<vmem>>
      %dma_wait3A_199 = tpu.memref_squeeze %dma_wait3A_198 : memref<1x1x112xi32, #tpu.memory_space<vmem>> -> memref<112xi32, #tpu.memory_space<vmem>>
      %dma_wait3A_200 = arith.constant 0 : i32
      %dma_wait3A_201 = arith.constant 0 : i32
      %dma_wait3A_202 = tpu.memref_slice %arg2[%dma_wait3A_200, %dma_wait3A_201] : memref<10240x128xf32, #tpu.memory_space<hbm>> -> memref<10240x128xf32, #tpu.memory_space<hbm>>
      tpu.wait_indirect_dma semaphore(%arg12 : memref<!tpu.dma_semaphore, #tpu.memory_space<semaphore_mem>>) src(%dma_wait3A_202 : memref<10240x128xf32, #tpu.memory_space<hbm>>) dst(%arg10 : memref<112x128xf32, #tpu.memory_space<vmem>>)
      %dma_wait3A_203 = arith.constant 4 : i32
      %dma_wait3A_204 = arith.constant 0 : i32
      %dma_wait3A_205 = tpu.memref_slice %arg7[%rem3A_59, %dma_wait3A_203, %dma_wait3A_204] : memref<2x6x112xi32, #tpu.memory_space<vmem>> -> memref<1x1x112xi32, #tpu.memory_space<vmem>>
      %dma_wait3A_206 = tpu.memref_squeeze %dma_wait3A_205 : memref<1x1x112xi32, #tpu.memory_space<vmem>> -> memref<112xi32, #tpu.memory_space<vmem>>
      %dma_wait3A_207 = arith.constant 0 : i32
      %dma_wait3A_208 = arith.constant 0 : i32
      %dma_wait3A_209 = tpu.memref_slice %arg11[%dma_wait3A_207, %dma_wait3A_208] : memref<10240x128xf32, #tpu.memory_space<vmem_shared>> -> memref<10240x128xf32, #tpu.memory_space<vmem_shared>>
      tpu.wait_indirect_dma semaphore(%arg13 : memref<!tpu.dma_semaphore, #tpu.memory_space<semaphore_mem>>) src(%arg9 : memref<112x128xf32, #tpu.memory_space<vmem>>) dst(%dma_wait3A_209 : memref<10240x128xf32, #tpu.memory_space<vmem_shared>>)
      %convert_element_type3A_210 = arith.extui %lt3A_63 : i1 to i32
      %cond3A_211 = arith.constant 0 : i32
      %cond3A_212 = arith.cmpi ne, %convert_element_type3A_210, %cond3A_211 : i32
      scf.if %cond3A_212 {
        %dma_start3A_227 = arith.constant 1 : i32
        %dma_start3A_228 = arith.constant 0 : i32
        %dma_start3A_229 = tpu.memref_slice %arg6[%sub3A_60, %dma_start3A_227, %dma_start3A_228] : memref<2x6x112xi32, #tpu.memory_space<vmem>> -> memref<1x1x112xi32, #tpu.memory_space<vmem>>
        %dma_start3A_230 = tpu.memref_squeeze %dma_start3A_229 : memref<1x1x112xi32, #tpu.memory_space<vmem>> -> memref<112xi32, #tpu.memory_space<vmem>>
        %dma_start3A_231 = arith.constant 0 : i32
        %dma_start3A_232 = arith.constant 0 : i32
        %dma_start3A_233 = tpu.memref_slice %arg2[%dma_start3A_231, %dma_start3A_232] : memref<10240x128xf32, #tpu.memory_space<hbm>> -> memref<10240x128xf32, #tpu.memory_space<hbm>>
        tpu.enqueue_indirect_dma source(%dma_start3A_233 : memref<10240x128xf32, #tpu.memory_space<hbm>>) target(%arg9 : memref<112x128xf32, #tpu.memory_space<vmem>>) offsets(%dma_start3A_230 : memref<112xi32, #tpu.memory_space<vmem>>) semaphore(%arg12 : memref<!tpu.dma_semaphore, #tpu.memory_space<semaphore_mem>>)
      } else {
      }
      %dma_start3A_213 = arith.constant 5 : i32
      %dma_start3A_214 = arith.constant 0 : i32
      %dma_start3A_215 = tpu.memref_slice %arg7[%rem3A_59, %dma_start3A_213, %dma_start3A_214] : memref<2x6x112xi32, #tpu.memory_space<vmem>> -> memref<1x1x112xi32, #tpu.memory_space<vmem>>
      %dma_start3A_216 = tpu.memref_squeeze %dma_start3A_215 : memref<1x1x112xi32, #tpu.memory_space<vmem>> -> memref<112xi32, #tpu.memory_space<vmem>>
      %dma_start3A_217 = arith.constant 0 : i32
      %dma_start3A_218 = arith.constant 0 : i32
      %dma_start3A_219 = tpu.memref_slice %arg11[%dma_start3A_217, %dma_start3A_218] : memref<10240x128xf32, #tpu.memory_space<vmem_shared>> -> memref<10240x128xf32, #tpu.memory_space<vmem_shared>>
      tpu.enqueue_indirect_dma source(%arg10 : memref<112x128xf32, #tpu.memory_space<vmem>>) target(%dma_start3A_219 : memref<10240x128xf32, #tpu.memory_space<vmem_shared>>) offsets(%dma_start3A_216 : memref<112xi32, #tpu.memory_space<vmem>>) semaphore(%arg13 : memref<!tpu.dma_semaphore, #tpu.memory_space<semaphore_mem>>) {add = true}
      %dma_wait3A_220 = arith.constant 5 : i32
      %dma_wait3A_221 = arith.constant 0 : i32
      %dma_wait3A_222 = tpu.memref_slice %arg7[%rem3A_59, %dma_wait3A_220, %dma_wait3A_221] : memref<2x6x112xi32, #tpu.memory_space<vmem>> -> memref<1x1x112xi32, #tpu.memory_space<vmem>>
      %dma_wait3A_223 = tpu.memref_squeeze %dma_wait3A_222 : memref<1x1x112xi32, #tpu.memory_space<vmem>> -> memref<112xi32, #tpu.memory_space<vmem>>
      %dma_wait3A_224 = arith.constant 0 : i32
      %dma_wait3A_225 = arith.constant 0 : i32
      %dma_wait3A_226 = tpu.memref_slice %arg11[%dma_wait3A_224, %dma_wait3A_225] : memref<10240x128xf32, #tpu.memory_space<vmem_shared>> -> memref<10240x128xf32, #tpu.memory_space<vmem_shared>>
      tpu.wait_indirect_dma semaphore(%arg13 : memref<!tpu.dma_semaphore, #tpu.memory_space<semaphore_mem>>) src(%arg10 : memref<112x128xf32, #tpu.memory_space<vmem>>) dst(%dma_wait3A_226 : memref<10240x128xf32, #tpu.memory_space<vmem_shared>>)
    }
    %scan3A_52 = arith.constant 15 : i32
    %barrier3A_53 = arith.constant 0 : index
    tpu.barrier barrier_id(%barrier3A_53)
    %mul3A_54 = arith.constant 640 : i32
    %mul3A_55 = arith.muli %arg1, %mul3A_54 : i32
    %mul3A_56 = arith.constant 640 : i32
    %mul3A_57 = arith.muli %arg1, %mul3A_56 : i32
    "tpu.region"() ({
      %run_scoped3A_58 = tpu.sem_alloc : memref<!tpu.dma_semaphore, #tpu.memory_space<semaphore_mem>>
      %dma_start3A_59 = arith.constant 0 : i32
      %dma_start3A_60 = tpu.memref_slice %arg5[%arg0, %mul3A_57, %dma_start3A_59] : memref<2x10240x128xf32, #tpu.memory_space<hbm>> -> memref<1x640x128xf32, #tpu.memory_space<hbm>>
      %dma_start3A_61 = tpu.memref_squeeze %dma_start3A_60 : memref<1x640x128xf32, #tpu.memory_space<hbm>> -> memref<640x128xf32, #tpu.memory_space<hbm>>
      %dma_start3A_62 = arith.constant 0 : i32
      %dma_start3A_63 = tpu.memref_slice %arg11[%mul3A_55, %dma_start3A_62] : memref<10240x128xf32, #tpu.memory_space<vmem_shared>> -> memref<640x128xf32, #tpu.memory_space<vmem_shared>>
      tpu.enqueue_dma source(%dma_start3A_63 : memref<640x128xf32, #tpu.memory_space<vmem_shared>>) target(%dma_start3A_61 : memref<640x128xf32, #tpu.memory_space<hbm>>) target_semaphore(%run_scoped3A_58 : memref<!tpu.dma_semaphore, #tpu.memory_space<semaphore_mem>>)
      %dma_wait3A = arith.constant 0 : i32
      %dma_wait3A_64 = tpu.memref_slice %arg5[%arg0, %mul3A_57, %dma_wait3A] : memref<2x10240x128xf32, #tpu.memory_space<hbm>> -> memref<1x640x128xf32, #tpu.memory_space<hbm>>
      %dma_wait3A_65 = tpu.memref_squeeze %dma_wait3A_64 : memref<1x640x128xf32, #tpu.memory_space<hbm>> -> memref<640x128xf32, #tpu.memory_space<hbm>>
      %dma_wait3A_66 = arith.constant 0 : i32
      %dma_wait3A_67 = tpu.memref_slice %arg11[%mul3A_55, %dma_wait3A_66] : memref<10240x128xf32, #tpu.memory_space<vmem_shared>> -> memref<640x128xf32, #tpu.memory_space<vmem_shared>>
      tpu.wait_dma2 semaphore(%run_scoped3A_58 : memref<!tpu.dma_semaphore, #tpu.memory_space<semaphore_mem>>) src(%dma_wait3A_67 : memref<640x128xf32, #tpu.memory_space<vmem_shared>>) dst(%dma_wait3A_65 : memref<640x128xf32, #tpu.memory_space<hbm>>)
      tpu.yield
    }) : () -> ()
    return
  }
}

#map = affine_map<(d0, d1) -> (0, 0, 0)>
#map1 = affine_map<(d0, d1) -> (0, 0)>
module attributes {stable_mosaic.version = 14 : i64} {
  func.func @deg_kernel(%arg0: i32, %arg1: i32, %arg2: memref<32x90x112xi32, #tpu.memory_space<hbm>>, %arg3: memref<2x10240xf32, #tpu.memory_space<hbm>>, %arg4: memref<90x112xi32, #tpu.memory_space<vmem>>, %arg5: memref<112xf32, #tpu.memory_space<vmem>>, %arg6: memref<640xf32, #tpu.memory_space<vmem>>, %arg7: memref<10240xf32, #tpu.memory_space<vmem_shared>>, %arg8: memref<!tpu.dma_semaphore, #tpu.memory_space<semaphore_mem>>) attributes {dimension_semantics = [#tpu.dimension_semantics<core_parallel>, #tpu.dimension_semantics<subcore_parallel>], iteration_bounds = array<i64: 2, 16>, scalar_prefetch = 0 : i64, scratch_operands = 5 : i64, tpu.core_type = #tpu.core_type<sc_vector_subcore>, window_params = [{transform_indices = #map}, {transform_indices = #map1}]} {
    %mul3A = arith.constant 2 : i32
    %mul3A_0 = arith.muli %arg1, %mul3A : i32
    %add3A = arith.addi %mul3A_0, %arg0 : i32
    %broadcast_in_dim3A = arith.constant 1.000000e+00 : f32
    %broadcast_in_dim3A_1 = vector.broadcast %broadcast_in_dim3A : f32 to vector<16xf32>
    %broadcast_in_dim3A_2 = arith.constant 0.000000e+00 : f32
    %broadcast_in_dim3A_3 = vector.broadcast %broadcast_in_dim3A_2 : f32 to vector<16xf32>
    %swap3A = arith.constant 0 : index
    %swap3A_4 = tpu.vector_load %arg5[%swap3A] {strides = array<i32>} : memref<112xf32, #tpu.memory_space<vmem>>, vector<16xf32>,
    %swap3A_5 = vector.shape_cast %swap3A_4 : vector<16xf32> to vector<16xf32>
    %swap3A_6 = vector.shape_cast %broadcast_in_dim3A_1 : vector<16xf32> to vector<16xf32>
    tpu.vector_store %arg5[%swap3A], %swap3A_6 {strides = array<i32>} : memref<112xf32, #tpu.memory_space<vmem>>, vector<16xf32>,
    %swap3A_7 = arith.constant 16 : index
    %swap3A_8 = tpu.vector_load %arg5[%swap3A_7] {strides = array<i32>} : memref<112xf32, #tpu.memory_space<vmem>>, vector<16xf32>,
    %swap3A_9 = vector.shape_cast %swap3A_8 : vector<16xf32> to vector<16xf32>
    %swap3A_10 = vector.shape_cast %broadcast_in_dim3A_1 : vector<16xf32> to vector<16xf32>
    tpu.vector_store %arg5[%swap3A_7], %swap3A_10 {strides = array<i32>} : memref<112xf32, #tpu.memory_space<vmem>>, vector<16xf32>,
    %swap3A_11 = arith.constant 32 : index
    %swap3A_12 = tpu.vector_load %arg5[%swap3A_11] {strides = array<i32>} : memref<112xf32, #tpu.memory_space<vmem>>, vector<16xf32>,
    %swap3A_13 = vector.shape_cast %swap3A_12 : vector<16xf32> to vector<16xf32>
    %swap3A_14 = vector.shape_cast %broadcast_in_dim3A_1 : vector<16xf32> to vector<16xf32>
    tpu.vector_store %arg5[%swap3A_11], %swap3A_14 {strides = array<i32>} : memref<112xf32, #tpu.memory_space<vmem>>, vector<16xf32>,
    %swap3A_15 = arith.constant 48 : index
    %swap3A_16 = tpu.vector_load %arg5[%swap3A_15] {strides = array<i32>} : memref<112xf32, #tpu.memory_space<vmem>>, vector<16xf32>,
    %swap3A_17 = vector.shape_cast %swap3A_16 : vector<16xf32> to vector<16xf32>
    %swap3A_18 = vector.shape_cast %broadcast_in_dim3A_1 : vector<16xf32> to vector<16xf32>
    tpu.vector_store %arg5[%swap3A_15], %swap3A_18 {strides = array<i32>} : memref<112xf32, #tpu.memory_space<vmem>>, vector<16xf32>,
    %swap3A_19 = arith.constant 64 : index
    %swap3A_20 = tpu.vector_load %arg5[%swap3A_19] {strides = array<i32>} : memref<112xf32, #tpu.memory_space<vmem>>, vector<16xf32>,
    %swap3A_21 = vector.shape_cast %swap3A_20 : vector<16xf32> to vector<16xf32>
    %swap3A_22 = vector.shape_cast %broadcast_in_dim3A_1 : vector<16xf32> to vector<16xf32>
    tpu.vector_store %arg5[%swap3A_19], %swap3A_22 {strides = array<i32>} : memref<112xf32, #tpu.memory_space<vmem>>, vector<16xf32>,
    %swap3A_23 = arith.constant 80 : index
    %swap3A_24 = tpu.vector_load %arg5[%swap3A_23] {strides = array<i32>} : memref<112xf32, #tpu.memory_space<vmem>>, vector<16xf32>,
    %swap3A_25 = vector.shape_cast %swap3A_24 : vector<16xf32> to vector<16xf32>
    %swap3A_26 = vector.shape_cast %broadcast_in_dim3A_1 : vector<16xf32> to vector<16xf32>
    tpu.vector_store %arg5[%swap3A_23], %swap3A_26 {strides = array<i32>} : memref<112xf32, #tpu.memory_space<vmem>>, vector<16xf32>,
    %swap3A_27 = arith.constant 96 : index
    %swap3A_28 = tpu.vector_load %arg5[%swap3A_27] {strides = array<i32>} : memref<112xf32, #tpu.memory_space<vmem>>, vector<16xf32>,
    %swap3A_29 = vector.shape_cast %swap3A_28 : vector<16xf32> to vector<16xf32>
    %swap3A_30 = vector.shape_cast %broadcast_in_dim3A_1 : vector<16xf32> to vector<16xf32>
    tpu.vector_store %arg5[%swap3A_27], %swap3A_30 {strides = array<i32>} : memref<112xf32, #tpu.memory_space<vmem>>, vector<16xf32>,
    %scan3A = arith.constant 0 : i32
    %scan3A_31 = arith.constant 40 : i32
    %scan3A_32 = arith.addi %scan3A, %scan3A_31 : i32
    %scan3A_33 = arith.constant 1 : i32
    scf.for %scan3A_52 = %scan3A to %scan3A_32 step %scan3A_33  : i32 {
      %mul3A_53 = arith.constant 16 : i32
      %mul3A_54 = arith.muli %scan3A_52, %mul3A_53 : i32
      %swap3A_55 = arith.index_cast %mul3A_54 : i32 to index
      %swap3A_56 = tpu.vector_load %arg6[%swap3A_55] {strides = array<i32>} : memref<640xf32, #tpu.memory_space<vmem>>, vector<16xf32>,
      %swap3A_57 = vector.shape_cast %swap3A_56 : vector<16xf32> to vector<16xf32>
      %swap3A_58 = vector.shape_cast %broadcast_in_dim3A_3 : vector<16xf32> to vector<16xf32>
      tpu.vector_store %arg6[%swap3A_55], %swap3A_58 {strides = array<i32>} : memref<640xf32, #tpu.memory_space<vmem>>, vector<16xf32>,
    }
    %scan3A_34 = arith.constant 40 : i32
    %mul3A_35 = arith.constant 640 : i32
    %mul3A_36 = arith.muli %arg1, %mul3A_35 : i32
    "tpu.region"() ({
      %run_scoped3A = tpu.sem_alloc : memref<!tpu.dma_semaphore, #tpu.memory_space<semaphore_mem>>
      %dma_start3A = tpu.memref_slice %arg7[%mul3A_36] : memref<10240xf32, #tpu.memory_space<vmem_shared>> -> memref<640xf32, #tpu.memory_space<vmem_shared>>
      %dma_start3A_52 = tpu.memref_slice %arg7[%mul3A_36] : memref<10240xf32, #tpu.memory_space<vmem_shared>> -> memref<640xf32, #tpu.memory_space<vmem_shared>>
      tpu.enqueue_dma source(%arg6 : memref<640xf32, #tpu.memory_space<vmem>>) target(%dma_start3A_52 : memref<640xf32, #tpu.memory_space<vmem_shared>>) target_semaphore(%run_scoped3A : memref<!tpu.dma_semaphore, #tpu.memory_space<semaphore_mem>>)
      %dma_wait3A = tpu.memref_slice %arg7[%mul3A_36] : memref<10240xf32, #tpu.memory_space<vmem_shared>> -> memref<640xf32, #tpu.memory_space<vmem_shared>>
      %dma_wait3A_53 = tpu.memref_slice %arg7[%mul3A_36] : memref<10240xf32, #tpu.memory_space<vmem_shared>> -> memref<640xf32, #tpu.memory_space<vmem_shared>>
      tpu.wait_dma2 semaphore(%run_scoped3A : memref<!tpu.dma_semaphore, #tpu.memory_space<semaphore_mem>>) src(%arg6 : memref<640xf32, #tpu.memory_space<vmem>>) dst(%dma_wait3A_53 : memref<640xf32, #tpu.memory_space<vmem_shared>>)
      tpu.yield
    }) : () -> ()
    "tpu.region"() ({
      %run_scoped3A = tpu.sem_alloc : memref<!tpu.dma_semaphore, #tpu.memory_space<semaphore_mem>>
      %dma_start3A = arith.constant 0 : i32
      %dma_start3A_52 = arith.constant 0 : i32
      %dma_start3A_53 = tpu.memref_slice %arg2[%add3A, %dma_start3A, %dma_start3A_52] : memref<32x90x112xi32, #tpu.memory_space<hbm>> -> memref<1x90x112xi32, #tpu.memory_space<hbm>>
      %dma_start3A_54 = tpu.memref_squeeze %dma_start3A_53 : memref<1x90x112xi32, #tpu.memory_space<hbm>> -> memref<90x112xi32, #tpu.memory_space<hbm>>
      %dma_start3A_55 = arith.constant 0 : i32
      %dma_start3A_56 = arith.constant 0 : i32
      %dma_start3A_57 = tpu.memref_slice %arg2[%add3A, %dma_start3A_55, %dma_start3A_56] : memref<32x90x112xi32, #tpu.memory_space<hbm>> -> memref<1x90x112xi32, #tpu.memory_space<hbm>>
      %dma_start3A_58 = tpu.memref_squeeze %dma_start3A_57 : memref<1x90x112xi32, #tpu.memory_space<hbm>> -> memref<90x112xi32, #tpu.memory_space<hbm>>
      tpu.enqueue_dma source(%dma_start3A_58 : memref<90x112xi32, #tpu.memory_space<hbm>>) target(%arg4 : memref<90x112xi32, #tpu.memory_space<vmem>>) target_semaphore(%run_scoped3A : memref<!tpu.dma_semaphore, #tpu.memory_space<semaphore_mem>>)
      %dma_wait3A = arith.constant 0 : i32
      %dma_wait3A_59 = arith.constant 0 : i32
      %dma_wait3A_60 = tpu.memref_slice %arg2[%add3A, %dma_wait3A, %dma_wait3A_59] : memref<32x90x112xi32, #tpu.memory_space<hbm>> -> memref<1x90x112xi32, #tpu.memory_space<hbm>>
      %dma_wait3A_61 = tpu.memref_squeeze %dma_wait3A_60 : memref<1x90x112xi32, #tpu.memory_space<hbm>> -> memref<90x112xi32, #tpu.memory_space<hbm>>
      %dma_wait3A_62 = arith.constant 0 : i32
      %dma_wait3A_63 = arith.constant 0 : i32
      %dma_wait3A_64 = tpu.memref_slice %arg2[%add3A, %dma_wait3A_62, %dma_wait3A_63] : memref<32x90x112xi32, #tpu.memory_space<hbm>> -> memref<1x90x112xi32, #tpu.memory_space<hbm>>
      %dma_wait3A_65 = tpu.memref_squeeze %dma_wait3A_64 : memref<1x90x112xi32, #tpu.memory_space<hbm>> -> memref<90x112xi32, #tpu.memory_space<hbm>>
      tpu.wait_dma2 semaphore(%run_scoped3A : memref<!tpu.dma_semaphore, #tpu.memory_space<semaphore_mem>>) src(%dma_wait3A_65 : memref<90x112xi32, #tpu.memory_space<hbm>>) dst(%arg4 : memref<90x112xi32, #tpu.memory_space<vmem>>)
      tpu.yield
    }) : () -> ()
    %barrier3A = arith.constant 0 : index
    tpu.barrier barrier_id(%barrier3A)
    %scan3A_37 = arith.constant 0 : i32
    %scan3A_38 = arith.constant 90 : i32
    %scan3A_39 = arith.addi %scan3A_37, %scan3A_38 : i32
    %scan3A_40 = arith.constant 1 : i32
    scf.for %scan3A_52 = %scan3A_37 to %scan3A_39 step %scan3A_40  : i32 {
      %dma_start3A = arith.constant 0 : i32
      %dma_start3A_53 = tpu.memref_slice %arg4[%scan3A_52, %dma_start3A] : memref<90x112xi32, #tpu.memory_space<vmem>> -> memref<1x112xi32, #tpu.memory_space<vmem>>
      %dma_start3A_54 = tpu.memref_squeeze %dma_start3A_53 : memref<1x112xi32, #tpu.memory_space<vmem>> -> memref<112xi32, #tpu.memory_space<vmem>>
      %dma_start3A_55 = arith.constant 0 : i32
      %dma_start3A_56 = tpu.memref_slice %arg7[%dma_start3A_55] : memref<10240xf32, #tpu.memory_space<vmem_shared>> -> memref<10240xf32, #tpu.memory_space<vmem_shared>>
      tpu.enqueue_indirect_dma source(%arg5 : memref<112xf32, #tpu.memory_space<vmem>>) target(%dma_start3A_56 : memref<10240xf32, #tpu.memory_space<vmem_shared>>) offsets(%dma_start3A_54 : memref<112xi32, #tpu.memory_space<vmem>>) semaphore(%arg8 : memref<!tpu.dma_semaphore, #tpu.memory_space<semaphore_mem>>) {add = true}
    }
    %scan3A_41 = arith.constant 90 : i32
    %scan3A_42 = arith.constant 0 : i32
    %scan3A_43 = arith.constant 90 : i32
    %scan3A_44 = arith.addi %scan3A_42, %scan3A_43 : i32
    %scan3A_45 = arith.constant 1 : i32
    scf.for %scan3A_52 = %scan3A_42 to %scan3A_44 step %scan3A_45  : i32 {
      %dma_wait3A = arith.constant 0 : i32
      %dma_wait3A_53 = tpu.memref_slice %arg4[%scan3A_52, %dma_wait3A] : memref<90x112xi32, #tpu.memory_space<vmem>> -> memref<1x112xi32, #tpu.memory_space<vmem>>
      %dma_wait3A_54 = tpu.memref_squeeze %dma_wait3A_53 : memref<1x112xi32, #tpu.memory_space<vmem>> -> memref<112xi32, #tpu.memory_space<vmem>>
      %dma_wait3A_55 = arith.constant 0 : i32
      %dma_wait3A_56 = tpu.memref_slice %arg7[%dma_wait3A_55] : memref<10240xf32, #tpu.memory_space<vmem_shared>> -> memref<10240xf32, #tpu.memory_space<vmem_shared>>
      tpu.wait_indirect_dma semaphore(%arg8 : memref<!tpu.dma_semaphore, #tpu.memory_space<semaphore_mem>>) src(%arg5 : memref<112xf32, #tpu.memory_space<vmem>>) dst(%dma_wait3A_56 : memref<10240xf32, #tpu.memory_space<vmem_shared>>)
    }
    %scan3A_46 = arith.constant 90 : i32
    %barrier3A_47 = arith.constant 0 : index
    tpu.barrier barrier_id(%barrier3A_47)
    %mul3A_48 = arith.constant 640 : i32
    %mul3A_49 = arith.muli %arg1, %mul3A_48 : i32
    %mul3A_50 = arith.constant 640 : i32
    %mul3A_51 = arith.muli %arg1, %mul3A_50 : i32
    "tpu.region"() ({
      %run_scoped3A = tpu.sem_alloc : memref<!tpu.dma_semaphore, #tpu.memory_space<semaphore_mem>>
      %dma_start3A = tpu.memref_slice %arg3[%arg0, %mul3A_51] : memref<2x10240xf32, #tpu.memory_space<hbm>> -> memref<1x640xf32, #tpu.memory_space<hbm>>
      %dma_start3A_52 = tpu.memref_squeeze %dma_start3A : memref<1x640xf32, #tpu.memory_space<hbm>> -> memref<640xf32, #tpu.memory_space<hbm>>
      %dma_start3A_53 = tpu.memref_slice %arg7[%mul3A_49] : memref<10240xf32, #tpu.memory_space<vmem_shared>> -> memref<640xf32, #tpu.memory_space<vmem_shared>>
      tpu.enqueue_dma source(%dma_start3A_53 : memref<640xf32, #tpu.memory_space<vmem_shared>>) target(%dma_start3A_52 : memref<640xf32, #tpu.memory_space<hbm>>) target_semaphore(%run_scoped3A : memref<!tpu.dma_semaphore, #tpu.memory_space<semaphore_mem>>)
      %dma_wait3A = tpu.memref_slice %arg3[%arg0, %mul3A_51] : memref<2x10240xf32, #tpu.memory_space<hbm>> -> memref<1x640xf32, #tpu.memory_space<hbm>>
      %dma_wait3A_54 = tpu.memref_squeeze %dma_wait3A : memref<1x640xf32, #tpu.memory_space<hbm>> -> memref<640xf32, #tpu.memory_space<hbm>>
      %dma_wait3A_55 = tpu.memref_slice %arg7[%mul3A_49] : memref<10240xf32, #tpu.memory_space<vmem_shared>> -> memref<640xf32, #tpu.memory_space<vmem_shared>>
      tpu.wait_dma2 semaphore(%run_scoped3A : memref<!tpu.dma_semaphore, #tpu.memory_space<semaphore_mem>>) src(%dma_wait3A_55 : memref<640xf32, #tpu.memory_space<vmem_shared>>) dst(%dma_wait3A_54 : memref<640xf32, #tpu.memory_space<hbm>>)
      tpu.yield
    }) : () -> ()
    return
  }
}

module attributes {stable_mosaic.version = 14 : i64} {
  func.func @body(%arg0: i32, %arg1: memref<2048x128xf32, #tpu.memory_space<vmem>>, %arg2: memref<128x128xf32, #tpu.memory_space<vmem>>, %arg3: memref<1x128xf32, #tpu.memory_space<vmem>>, %arg4: memref<2048x1xf32, #tpu.memory_space<vmem>>, %arg5: memref<2048x128xf32, #tpu.memory_space<vmem>>, %arg6: memref<2048x1xf32, #tpu.memory_space<vmem>>) attributes {dimension_semantics = [#tpu.dimension_semantics<arbitrary>], iteration_bounds = array<i64: 5>, scalar_prefetch = 0 : i64, scratch_operands = 0 : i64, tpu.core_type = #tpu.core_type<tc>, window_params = [{transform_indices = @transform_0, window_bounds = array<i64: 2048, 128>}, {pipeline_mode = #tpu.pipeline_mode<synchronous>, transform_indices = @transform_1, window_bounds = array<i64: 128, 128>}, {pipeline_mode = #tpu.pipeline_mode<synchronous>, transform_indices = @transform_2, window_bounds = array<i64: 1, 128>}, {transform_indices = @transform_3, window_bounds = array<i64: 2048, 1>}, {transform_indices = @transform_4, window_bounds = array<i64: 2048, 128>}, {transform_indices = @transform_5, window_bounds = array<i64: 2048, 1>}]} {
    %get3A = arith.constant 0 : index
    %get3A_0 = arith.constant 0 : index
    %get3A_1 = vector.load %arg1[%get3A, %get3A_0] : memref<2048x128xf32, #tpu.memory_space<vmem>>, vector<2048x128xf32>
    %get3A_2 = arith.constant 0 : index
    %get3A_3 = arith.constant 0 : index
    %get3A_4 = vector.load %arg2[%get3A_2, %get3A_3] : memref<128x128xf32, #tpu.memory_space<vmem>>, vector<128x128xf32>
    %dot_general3A = arith.constant dense<0.000000e+00> : vector<2048x128xf32>
    %dot_general3A_5 = tpu.matmul %get3A_1, %get3A_4, %dot_general3A {dimension_numbers = #tpu.dot_dimension_numbers<[1], [0], [0], [1], [0, 0, 1, 1], [], []>, transpose_lhs_hint = false} : vector<2048x128xf32>, vector<128x128xf32>, vector<2048x128xf32> -> vector<2048x128xf32>
    %get3A_6 = arith.constant 0 : index
    %get3A_7 = arith.constant 0 : index
    %get3A_8 = vector.load %arg3[%get3A_6, %get3A_7] : memref<1x128xf32, #tpu.memory_space<vmem>>, vector<1x128xf32>
    %add3A = vector.broadcast %get3A_8 : vector<1x128xf32> to vector<2048x128xf32>
    %add3A_9 = arith.addf %dot_general3A_5, %add3A : vector<2048x128xf32>
    %get3A_10 = arith.constant 0 : index
    %get3A_11 = arith.constant 0 : index
    %get3A_12 = vector.load %arg4[%get3A_10, %get3A_11] : memref<2048x1xf32, #tpu.memory_space<vmem>>, vector<2048x1xf32>
    %rsqrt3A = math.rsqrt %get3A_12 : vector<2048x1xf32>
    %mul3A = arith.constant 2048 : i32
    %mul3A_13 = arith.muli %arg0, %mul3A : i32
    %iota3A = tpu.iota {dimensions = array<i32: 0>} : vector<2048x1xi32>
    %add3A_14 = vector.broadcast %mul3A_13 : i32 to vector<2048x1xi32>
    %add3A_15 = arith.addi %add3A_14, %iota3A : vector<2048x1xi32>
    %lt3A = arith.constant 10000 : i32
    %lt3A_16 = vector.broadcast %lt3A : i32 to vector<2048x1xi32>
    %lt3A_17 = arith.cmpi slt, %add3A_15, %lt3A_16 : vector<2048x1xi32>
    %jit3A = arith.constant 0.000000e+00 : f32
    %broadcast_in_dim3A = vector.broadcast %jit3A : f32 to vector<2048x1xf32>
    %select_n3A = arith.select %lt3A_17, %rsqrt3A, %broadcast_in_dim3A : vector<2048x1xi1>, vector<2048x1xf32>
    %mul3A_18 = vector.broadcast %select_n3A : vector<2048x1xf32> to vector<2048x128xf32>
    %mul3A_19 = arith.mulf %add3A_9, %mul3A_18 : vector<2048x128xf32>
    %jit3A_20 = arith.constant 0.000000e+00 : f32
    %broadcast_in_dim3A_21 = vector.shape_cast %lt3A_17 : vector<2048x1xi1> to vector<2048x1xi1>
    %broadcast_in_dim3A_22 = vector.broadcast %broadcast_in_dim3A_21 : vector<2048x1xi1> to vector<2048x128xi1>
    %broadcast_in_dim3A_23 = vector.broadcast %jit3A_20 : f32 to vector<2048x128xf32>
    %select_n3A_24 = arith.select %broadcast_in_dim3A_22, %mul3A_19, %broadcast_in_dim3A_23 : vector<2048x128xi1>, vector<2048x128xf32>
    %swap3A = arith.constant 0 : index
    %swap3A_25 = arith.constant 0 : index
    %swap3A_26 = vector.load %arg5[%swap3A, %swap3A_25] : memref<2048x128xf32, #tpu.memory_space<vmem>>, vector<2048x128xf32>
    tpu.vector_store %arg5[%swap3A, %swap3A_25], %select_n3A_24 {strides = array<i32>} : memref<2048x128xf32, #tpu.memory_space<vmem>>, vector<2048x128xf32>,
    %swap3A_27 = arith.constant 0 : index
    %swap3A_28 = arith.constant 0 : index
    %swap3A_29 = vector.load %arg6[%swap3A_27, %swap3A_28] : memref<2048x1xf32, #tpu.memory_space<vmem>>, vector<2048x1xf32>
    tpu.vector_store %arg6[%swap3A_27, %swap3A_28], %select_n3A {strides = array<i32>} : memref<2048x1xf32, #tpu.memory_space<vmem>>, vector<2048x1xf32>,
    return
  }
  func.func @transform_0(%arg0: i32) -> (i32, i32) {
    %c0_i32 = arith.constant 0 : i32
    %c0_i32_0 = arith.constant 0 : i32
    return %arg0, %c0_i32 : i32, i32
  }
  func.func @transform_1(%arg0: i32) -> (i32, i32) {
    %c0_i32 = arith.constant 0 : i32
    %c0_i32_0 = arith.constant 0 : i32
    %c0_i32_1 = arith.constant 0 : i32
    return %c0_i32, %c0_i32_0 : i32, i32
  }
  func.func @transform_2(%arg0: i32) -> (i32, i32) {
    %c0_i32 = arith.constant 0 : i32
    %c0_i32_0 = arith.constant 0 : i32
    %c0_i32_1 = arith.constant 0 : i32
    return %c0_i32, %c0_i32_0 : i32, i32
  }
  func.func @transform_3(%arg0: i32) -> (i32, i32) {
    %c0_i32 = arith.constant 0 : i32
    %c0_i32_0 = arith.constant 0 : i32
    return %arg0, %c0_i32 : i32, i32
  }
  func.func @transform_4(%arg0: i32) -> (i32, i32) {
    %c0_i32 = arith.constant 0 : i32
    %c0_i32_0 = arith.constant 0 : i32
    return %arg0, %c0_i32 : i32, i32
  }
  func.func @transform_5(%arg0: i32) -> (i32, i32) {
    %c0_i32 = arith.constant 0 : i32
    %c0_i32_0 = arith.constant 0 : i32
    return %arg0, %c0_i32 : i32, i32
  }
}

module attributes {stable_mosaic.version = 14 : i64} {
  func.func @body(%arg0: i32, %arg1: memref<2x2000x128xf32, #tpu.memory_space<vmem>>, %arg2: memref<2000x128xf32, #tpu.memory_space<vmem>>, %arg3: memref<2000x1xf32, #tpu.memory_space<vmem>>, %arg4: memref<2000x128xf32, #tpu.memory_space<vmem>>) attributes {dimension_semantics = [#tpu.dimension_semantics<arbitrary>], iteration_bounds = array<i64: 5>, scalar_prefetch = 0 : i64, scratch_operands = 0 : i64, tpu.core_type = #tpu.core_type<tc>, window_params = [{transform_indices = @transform_0, window_bounds = array<i64: 2, 2000, 128>}, {transform_indices = @transform_1, window_bounds = array<i64: 2000, 128>}, {transform_indices = @transform_2, window_bounds = array<i64: 2000, 1>}, {transform_indices = @transform_3, window_bounds = array<i64: 2000, 128>}]} {
    %get3A = arith.constant 0 : index
    %get3A_0 = arith.constant 0 : index
    %get3A_1 = arith.constant 0 : index
    %get3A_2 = vector.load %arg1[%get3A, %get3A_0, %get3A_1] : memref<2x2000x128xf32, #tpu.memory_space<vmem>>, vector<1x2000x128xf32>
    %get3A_3 = vector.shape_cast %get3A_2 : vector<1x2000x128xf32> to vector<2000x128xf32>
    %get3A_4 = arith.constant 1 : index
    %get3A_5 = arith.constant 0 : index
    %get3A_6 = arith.constant 0 : index
    %get3A_7 = vector.load %arg1[%get3A_4, %get3A_5, %get3A_6] : memref<2x2000x128xf32, #tpu.memory_space<vmem>>, vector<1x2000x128xf32>
    %get3A_8 = vector.shape_cast %get3A_7 : vector<1x2000x128xf32> to vector<2000x128xf32>
    %add3A = arith.addf %get3A_3, %get3A_8 : vector<2000x128xf32>
    %get3A_9 = arith.constant 0 : index
    %get3A_10 = arith.constant 0 : index
    %get3A_11 = vector.load %arg2[%get3A_9, %get3A_10] : memref<2000x128xf32, #tpu.memory_space<vmem>>, vector<2000x128xf32>
    %add3A_12 = arith.addf %add3A, %get3A_11 : vector<2000x128xf32>
    %get3A_13 = arith.constant 0 : index
    %get3A_14 = arith.constant 0 : index
    %get3A_15 = vector.load %arg3[%get3A_13, %get3A_14] : memref<2000x1xf32, #tpu.memory_space<vmem>>, vector<2000x1xf32>
    %mul3A = vector.broadcast %get3A_15 : vector<2000x1xf32> to vector<2000x128xf32>
    %mul3A_16 = arith.mulf %add3A_12, %mul3A : vector<2000x128xf32>
    %max3A = arith.constant 0.000000e+00 : f32
    %max3A_17 = vector.broadcast %max3A : f32 to vector<2000x128xf32>
    %max3A_18 = arith.maximumf %mul3A_16, %max3A_17 : vector<2000x128xf32>
    %swap3A = arith.constant 0 : index
    %swap3A_19 = arith.constant 0 : index
    %swap3A_20 = vector.load %arg4[%swap3A, %swap3A_19] : memref<2000x128xf32, #tpu.memory_space<vmem>>, vector<2000x128xf32>
    tpu.vector_store %arg4[%swap3A, %swap3A_19], %max3A_18 {strides = array<i32>} : memref<2000x128xf32, #tpu.memory_space<vmem>>, vector<2000x128xf32>,
    return
  }
  func.func @transform_0(%arg0: i32) -> (i32, i32, i32) {
    %c0_i32 = arith.constant 0 : i32
    %c0_i32_0 = arith.constant 0 : i32
    %c0_i32_1 = arith.constant 0 : i32
    return %c0_i32, %arg0, %c0_i32_0 : i32, i32, i32
  }
  func.func @transform_1(%arg0: i32) -> (i32, i32) {
    %c0_i32 = arith.constant 0 : i32
    %c0_i32_0 = arith.constant 0 : i32
    return %arg0, %c0_i32 : i32, i32
  }
  func.func @transform_2(%arg0: i32) -> (i32, i32) {
    %c0_i32 = arith.constant 0 : i32
    %c0_i32_0 = arith.constant 0 : i32
    return %arg0, %c0_i32 : i32, i32
  }
  func.func @transform_3(%arg0: i32) -> (i32, i32) {
    %c0_i32 = arith.constant 0 : i32
    %c0_i32_0 = arith.constant 0 : i32
    return %arg0, %c0_i32 : i32, i32
  }
}

</mosaic_0001>

<sc_bundles>
// kernel: kernel.6.cloned.1.call-start
scs
__scs_entry_jumppad:
0x0: {  	(pc) =	sbr.rel $0x88, $3  }
0x1: {  	(tag) =	ssettag $0x0;
	lr =	simm.s32 $0x1  }
0x2: {  	[smem:$0x3F9D] =	sst lr;
	_ =	strace $0xD0000000  }
0x3: {  	_ = 	snop  }
0x4: {  	_ = 	snop  }
0x5: {  	_ = 	snop  }
0x6: {  	_ = 	snop  }
0x7: {  	_ = 	snop  }
__scs_overlays_trampoline_lowered:
0x8: {  	[smem:$0x3FAC] =	sst s0  }
0x9: {  	[smem:$0x3FAD] =	sst s1  }
0xa: {  	[smem:$0x3FAE] =	sst s2  }
0xb: {  	[smem:$0x3FAF] =	sst s3  }
0xc: {  	[smem:$0x3FB0] =	sst s4  }
0xd: {  	[smem:$0x3FB1] =	sst s5  }
0xe: {  	[smem:$0x3FB2] =	sst s6  }
0xf: {  	[smem:$0x3FB3] =	sst s7  }
0x10: {  	[smem:$0x3FB4] =	sst s8  }
0x11: {  	[smem:$0x3FB5] =	sst s9;
	s0 =	simm.s32 @!p0 $0x0  }
0x12: {  	s1 =	sld [smem:$0x3F9B];
	s0 =	simm.s32 @p0 $0x1  }
0x13: {  	[smem:$0x3FB6] =	sst s0;
	s0 =	simm.s32 @!p1 $0x0  }
0x14: {  	s2 =	sld [smem:$0x3F9A];
	s0 =	simm.s32 @p1 $0x1  }
0x15: {  	[smem:$0x3FB7] =	sst s0;
	s0 =	simm.s32 @!p2 $0x0  }
0x16: {  	s3 =	sld [smem:$0x3FDB];
	s0 =	simm.s32 @p2 $0x1  }
0x17: {  	s4 =	simm.s32 $0x1BF5;
	[smem:$0x3FB9] =	sst s0  }
0x18: {  	s0 =	sld [smem:$0x3F9C];
	_ =	swait.ge [sflag:s4], $0x0  }
0x19: {  	s7 =	sld [smem:$0x3F9D]  }
0x1a: {  	s8 =	sadd.s32 $0xFFFFE003, lr  }
0x1b: {  	s9 =	sadd.s32 $0xFFFFFEF7, lr;
	s5 =	simm.s32 $0xFFFFFFFF;
	p2 =	slt.u32 s8, $0xFFFFF086  }
0x1c: {  	p1 =	slt.u32 s9, $0xF7A;
	s5 =	simm.s32 @!p2 $0x0  }
0x1d: {  	s5 =	simm.s32 @p1 $0x1;
	p0 =	seq.s32 s7, s2  }
0x1e: {  	s7 =	smul.u32 @!p0 $0xF7A, s2;
	p2 =	seq.s32 @!p0 s5, $0x0  }
0x1f: {  	s9 =	smul.u32 $0xF7A, s1;
	s8 =	simm.s32 @!p0 $0x1BF5;
	p2 =	por !p2, p0  }
0x20: {  	[sflag:s8] =	ssyncset.s32 @!p0 $0xFFFFF086;
	s6 =	sadd.s32 @!p0 s3, s7;
	s7 =	simm.s32 @!p0 $0x108  }
0x21: {  	s3 =	sadd.s32 s3, s9;
	s6 =	sadd.s32 @!p0 $0x88, s6;
	s7 =	simm.s32 @p2 $0x1082  }
0x22: {  	[simem:s7], [sflag:s8] =	dma.local @!p0 [hbm:s6], $0xF7A  }
0x23: {  	s9 =	sor.u32 $0xD0000000, s2;
	s6 =	simm.s32 $0x108;
	_ =	swait.ge @!p0 [sflag:s8], $0x0  }
0x24: {  	s3 =	sadd.s32 $0x88, s3;
	s6 =	simm.s32 @!p1 $0x1082;
	[sflag:s4] =	ssyncset.s32 $0xFFFFF086  }
0x25: {  	[simem:s6], [sflag:s4] =	dma.local [hbm:s3], $0xF7A  }
0x26: {  	[smem:$0x3F9D] =	sst s1;
	(tag) =	ssettag s2;
	_ =	strace s9  }
0x27: {  	s1 =	sld [smem:$0x3FAD]  }
0x28: {  	s2 =	sld [smem:$0x3FAE]  }
0x29: {  	s4 =	sld [smem:$0x3FB0]  }
0x2a: {  	p0 =	seq.s32 s5, $0x0;
	s5 =	sld [smem:$0x3FB1]  }
0x2b: {  	s6 =	sld [smem:$0x3FB2]  }
0x2c: {  	s7 =	sld [smem:$0x3FB3]  }
0x2d: {  	s3 =	simm.s32 $0x108;
	s8 =	sld [smem:$0x3FB4]  }
0x2e: {  	s3 =	simm.s32 @!p0 $0x1082;
	s9 =	sld [smem:$0x3FB5]  }
0x2f: {  	lr =	sadd.s32 s0, s3;
	s0 =	sld [smem:$0x3FAC]  }
0x30: {  	s3 =	sld [smem:$0x3FAF]  }
0x31: {  	[smem:$0x3FB8] =	sst s10  }
0x32: {  	s10 =	sld [smem:$0x3FB6];
	_ =	sdelay $0x3  }
0x33: {  	p0 =	seq.s32 s10, $0x1;
	s10 =	sld [smem:$0x3FB8];
	_ =	sdelay $0x3  }
0x34: {  	[smem:$0x3FB8] =	sst s10  }
0x35: {  	s10 =	sld [smem:$0x3FB7];
	_ =	sdelay $0x3  }
0x36: {  	p1 =	seq.s32 s10, $0x1;
	s10 =	sld [smem:$0x3FB8];
	_ =	sdelay $0x3  }
0x37: {  	[smem:$0x3FB8] =	sst s10  }
0x38: {  	s10 =	sld [smem:$0x3FB9]  }
0x39: {  	_ = 	snop;
	(pc) =	sbr.ind lr, $3  }
0x3a: {  	_ = 	snop  }
0x3b: {  	_ = 	snop  }
0x3c: {  	p2 =	seq.s32 s10, $0x1;
	s10 =	sld [smem:$0x3FB8]  }
0x3d: {  	_ =	shalt  }
0x3e: {  	_ =	shalt  }
0x3f: {  	_ =	shalt  }
0x40: {  	_ =	shalt  }
0x41: {  	_ =	shalt  }
0x42: {  	_ =	shalt  }
0x43: {  	_ =	shalt  }
0x44: {  	_ =	shalt  }
0x45: {  	_ =	shalt  }
0x46: {  	_ =	shalt  }
0x47: {  	_ =	shalt  }
0x48: {  	_ =	shalt  }
0x49: {  	_ =	shalt  }
0x4a: {  	_ =	shalt  }
0x4b: {  	_ =	shalt  }
0x4c: {  	_ =	shalt  }
0x4d: {  	_ =	shalt  }
0x4e: {  	_ =	shalt  }
0x4f: {  	_ =	shalt  }
0x50: {  	_ =	shalt  }
0x51: {  	_ =	shalt  }
0x52: {  	_ =	shalt  }
0x53: {  	_ =	shalt  }
0x54: {  	_ =	shalt  }
0x55: {  	_ =	shalt  }
0x56: {  	_ =	shalt  }
0x57: {  	_ =	shalt  }
0x58: {  	_ =	shalt  }
0x59: {  	_ =	shalt  }
0x5a: {  	_ =	shalt  }
0x5b: {  	_ =	shalt  }
0x5c: {  	_ =	shalt  }
0x5d: {  	_ =	shalt  }
0x5e: {  	_ =	shalt  }
0x5f: {  	_ =	shalt  }
0x60: {  	_ =	shalt  }
0x61: {  	_ =	shalt  }
0x62: {  	_ =	shalt  }
0x63: {  	_ =	shalt  }
0x64: {  	_ =	shalt  }
0x65: {  	_ =	shalt  }
0x66: {  	_ =	shalt  }
0x67: {  	_ =	shalt  }
0x68: {  	_ =	shalt  }
0x69: {  	_ =	shalt  }
0x6a: {  	_ =	shalt  }
0x6b: {  	_ =	shalt  }
0x6c: {  	_ =	shalt  }
0x6d: {  	_ =	shalt  }
0x6e: {  	_ =	shalt  }
0x6f: {  	_ =	shalt  }
0x70: {  	_ =	shalt  }
0x71: {  	_ =	shalt  }
0x72: {  	_ =	shalt  }
0x73: {  	_ =	shalt  }
0x74: {  	_ =	shalt  }
0x75: {  	_ =	shalt  }
0x76: {  	_ =	shalt  }
0x77: {  	_ =	shalt  }
0x78: {  	_ =	shalt  }
0x79: {  	_ =	shalt  }
0x7a: {  	_ =	shalt  }
0x7b: {  	_ =	shalt  }
0x7c: {  	_ =	shalt  }
0x7d: {  	_ =	shalt  }
0x7e: {  	_ =	shalt  }
0x7f: {  	_ =	shalt  }
0x80: {  	_ =	shalt  }
0x81: {  	_ =	shalt  }
0x82: {  	_ =	shalt  }
0x83: {  	_ =	shalt  }
0x84: {  	_ =	shalt  }
0x85: {  	_ =	shalt  }
0x86: {  	_ =	shalt  }
0x87: {  	_ =	shalt  }
.Lfunc_end0:
.L_simem_size_0:
called_computation_lowered:
.L_overlay_start_0:
0x88: {  	s2 =	sld [smem:$0x3FD9]  }
0x89: {  	s3 =	sld [smem:$0x3FFE];
	_ =	sdelay $0x1  }
0x8a: {  	s1 =	srdreg.scid  }
0x8b: {  	s0 =	sand.u32 $0x1, s1  }
0x8c: {  	s16 =	sshll.u32 s0, $0xA;
	s2 =	sadd.s32 s3, s2  }
0x8d: {  	s2 =	sadd.s32 s2, s16  }
0x8e: {  	[smem:$0x3FC4] =	sst s2  }
0x8f: {  	_ = 	snop  }
0x90: {  	(tm) =	ssettm $0x1  }
0x91: {  	s17 =	sld [smem:$0x3FFB];
	_ =	sdelay $0x3  }
0x92: {  	_ =	strace s17  }
0x93: {  	s2 =	sld [smem:$0x3FFC];
	_ =	sdelay $0x3  }
0x94: {  	_ =	strace s2  }
0x95: {  	s2 =	sld [smem:$0x3FFD];
	_ =	sdelay $0x3  }
0x96: {  	_ =	strace s2  }
0x97: {  	_ =	strace $0x8FFFFFFF  }
0x98: {  	s18 =	sld [smem:$0x3FDB];
	_ =	sdelay $0x1  }
0x99: {  	s19 =	simm.s32 $_scs_section_size  }
0x9a: {  	s4 =	simm.s32 $_size__tile_overlayer_lowered;
	s5 =	simm.s32 $_tile_overlayer_lowered  }
0x9b: {  	s22 =	simm.s32 $0x1BFF;
	s21 =	sshll.u32 s5, $0x1;
	s2 =	sadd.s32 s19, s18  }
0x9c: {  	s6 =	simm.s32 $0x0;
	s20 =	sshll.u32 s4, $0x1;
	s4 =	sadd.s32 s21, s2  }
0x9d: {  	[timem:s6], [sflag:s22] =	dma.local [hbm:s4], s20  }
0x9e: {  	_ =	swait.ge [sflag:s22], s20  }
0x9f: {  	s3 =	ssub.s32 $0x0, s20;
	[sflag:s22] =	ssyncset.done $0x0  }
0xa0: {  	[sflag:s22] =	ssyncadd.s32 s3;
	_ =	sdelay $0x1  }
0xa1: {  	s23 =	simm.s32 $0x1B8B  }
0xa2: {  	_ =	swait.ge [sflag:s23], $0x1  }
0xa3: {  	[sflag:s23] =	ssyncset.done $0x0  }
0xa4: {  	s25 =	simm.s32 $0x1B8E;
	s24 =	sld [smem:$0x3FFE];
	[sflag:s23] =	ssyncadd.s32 $0xFFFFFFFF  }
0xa5: {  	s26 =	simm.s32 $execute0_lowered;
	[smem:$0x3FD2] =	sst s25  }
0xa6: {  	s4 =	sshll.u32 s26, $0x1;
	_ =	strace $0x80000046;
	[dreg:$0x1] =	wrdreg $0xFFFFFFFF  }
0xa7: {  	s28 =	simm.s32 $_size_execute0_lowered;
	s2 =	sadd.s32 s2, s4;
	[dreg:$0x0] =	wrdreg $0x0  }
0xa8: {  	s4 =	sshll.u32 s28, $0x1;
	[dreg:$0x2] =	wrdreg s2  }
0xa9: {  	[dreg:$0x3] =	wrdreg s4  }
0xaa: {  	[dreg:$0x4] =	wrdreg $0xC0  }
0xab: {  	_ =	task [dreg:s6], $0x5FFFF  }
0xac: {  	[dreg:$0x1] =	wrdreg $0xFFFFFFFF  }
0xad: {  	[dreg:$0x0] =	wrdreg $0x60  }
0xae: {  	[dreg:$0x2] =	wrdreg s24  }
0xaf: {  	[dreg:$0x3] =	wrdreg $0x33000  }
0xb0: {  	[dreg:$0x4] =	wrdreg $0x9  }
0xb1: {  	_ =	task.clear_ibuf [dreg:s6], $0x5FFFF;
	_ =	strace $0x90000046  }
0xb2: {  	s29 =	simm.s32 $0x9;
	_ =	strace $0x80000048  }
0xb3: {  	_ =	swait.ge [sflag:s29], $0x1  }
0xb4: {  	[sflag:s29] =	ssyncadd.s32 $0xFFFFFFFF  }
0xb5: {  	_ =	strace $0x90000048  }
0xb6: {  	_ =	sfence  }
0xb7: {  	s30 =	sld [smem:$0x0];
	_ =	sdelay $0x2  }
0xb8: {  	s31 =	sshll.u32 s1, $0xD;
	s1 =	sshrl.u32 s1, $0x2  }
0xb9: {  	s3 =	sand.u32 $0x4000, s31;
	s1 =	sadd.s32 s1, s30  }
0xba: {  	s0 =	sor.u32 s3, s0;
	s1 =	sshll.u32 s1, $0x11  }
0xbb: {  	s0 =	sor.u32 s1, s0  }
0xbc: {  	s0 =	sadd.s32 $0x8F2B, s0  }
0xbd: {  	[sflag:s0] =	ssyncadd.remote.s32 $0x1  }
0xbe: {  	_ =	sfence.sel $0xFFFF  }
0xbf: {  	[dreg:$0x0] =	wrdreg $0xFFFFFFFF;
	(pc) =	sbr.abs _section_cstart, $3  }
0xc0: {  	[dreg:$0x1] =	wrdreg $0xFFFFFFFF  }
0xc1: {  	_ =	task.clear_ibuf [dreg:s6], $0x2FFFF;
	_ =	strace $0x9FFFFFFF  }
0xc2: {  	(tm) =	ssettm $0x7FFFFFFF  }
0xc3: {  	_ =	shalt  }
tec
execute0_lowered:
.L_overlay_start_1:
0x0: {  	(tag) =	ssettag $0x1  }
0x1: {  	s4 =	rddreg [dreg:$0x0]  }
0x2: {  	s2 =	rddreg [dreg:$0x1]  }
0x3: {  	s0 =	rddreg [dreg:$0x2]  }
0x4: {  	s5 =	srdreg.scid;
	s1 =	stileid.u32  }
0x5: {  	s3 =	simm.s32 $0x0;
	s10 =	simm.s32 $0x70;
	s11 =	simm.s32 $0x3000  }
0x6: {  	s12 =	simm.s32 $0x1;
	s15 =	simm.s32 $0x20;
	s16 =	simm.s32 $0x10  }
0x7: {  	s17 =	simm.s32 $0x0;
	s5 =	sand.u32 $0x1, s5;
	s7 =	smul.u32 $0x500, s1  }
0x8: {  	s6 =	sshll.u32 s1, $0x1;
	[smem:$0x7FF] =	sst s3;
	s30 =	smul.u32 $0xA00, s1  }
0x9: {  	s13 =	sshll.u32 s1, $0x6;
	s6 =	sor.u32 s5, s6;
	_ =	strace $0x80000047  }
0xa: {  	s8 =	sshll.u32 s5, $0x7;
	s5 =	ssub.s32 $0x2, s5;
	s13 =	sor.u32 $0x1C02, s13  }
0xb: {  	s6 =	smul.u32 $0x600, s6;
	s7 =	sor.u32 s8, s7;
	s9 =	sshrl.u32 s5, $0x1  }
0xc: {  	s31 =	sshrl.u32 s30, $0x2;
	s8 =	simm.s32 $0x3080;
	s7 =	sshrl.u32 s7, $0x3  }
0xd: {  	s9 =	ssub.s32 s5, s9;
	s6 =	sadd.s32 s6, s4;
	s7 =	sadd.s32 s7, s4  }
0xe: {  	s4 =	sadd.s32 s31, s2;
	s5 =	sadd.s32 $0x1A00, s6;
	s6 =	sadd.s32 $0xDA00, s7  }
0xf: {  	v0 =	vimm.f32 $1.000000000e+00;
	v1 =	vimm.f32 $0.0e+00;
	s7 =	smax.u32 s9, $0x1;
	s9 =	simm.s32 $0x2;
	s14 =	sshrl.u32 s4, $0x3  }
.LBB2_1:
0x10: {  	[tilespmem:$0x3000] =	vst v0  }
0x11: {  	[tilespmem:$0x3010] =	vst v0  }
0x12: {  	[tilespmem:$0x3020] =	vst v0  }
0x13: {  	[tilespmem:$0x3030] =	vst v0  }
0x14: {  	[tilespmem:$0x3040] =	vst v0  }
0x15: {  	[tilespmem:$0x3050] =	vst v0  }
0x16: {  	[tilespmem:$0x3060] =	vst v0  }
0x17: {  	[tilespmem:$0x3080] =	vst v1  }
0x18: {  	[tilespmem:$0x3090] =	vst v1  }
0x19: {  	[tilespmem:$0x30A0] =	vst v1  }
0x1a: {  	[tilespmem:$0x30B0] =	vst v1  }
0x1b: {  	[tilespmem:$0x30C0] =	vst v1  }
0x1c: {  	[tilespmem:$0x30D0] =	vst v1  }
0x1d: {  	[tilespmem:$0x30E0] =	vst v1  }
0x1e: {  	[tilespmem:$0x30F0] =	vst v1  }
0x1f: {  	[tilespmem:$0x3100] =	vst v1  }
0x20: {  	[tilespmem:$0x3110] =	vst v1  }
0x21: {  	[tilespmem:$0x3120] =	vst v1  }
0x22: {  	[tilespmem:$0x3130] =	vst v1  }
0x23: {  	[tilespmem:$0x3140] =	vst v1  }
0x24: {  	[tilespmem:$0x3150] =	vst v1  }
0x25: {  	[tilespmem:$0x3160] =	vst v1  }
0x26: {  	[tilespmem:$0x3170] =	vst v1  }
0x27: {  	[tilespmem:$0x3180] =	vst v1  }
0x28: {  	[tilespmem:$0x3190] =	vst v1  }
0x29: {  	[tilespmem:$0x31A0] =	vst v1  }
0x2a: {  	[tilespmem:$0x31B0] =	vst v1  }
0x2b: {  	[tilespmem:$0x31C0] =	vst v1  }
0x2c: {  	[tilespmem:$0x31D0] =	vst v1  }
0x2d: {  	[tilespmem:$0x31E0] =	vst v1  }
0x2e: {  	[tilespmem:$0x31F0] =	vst v1  }
0x2f: {  	[tilespmem:$0x3200] =	vst v1  }
0x30: {  	[tilespmem:$0x3210] =	vst v1  }
0x31: {  	[tilespmem:$0x3220] =	vst v1  }
0x32: {  	[tilespmem:$0x3230] =	vst v1  }
0x33: {  	[tilespmem:$0x3240] =	vst v1  }
0x34: {  	[tilespmem:$0x3250] =	vst v1  }
0x35: {  	[tilespmem:$0x3260] =	vst v1  }
0x36: {  	[tilespmem:$0x3270] =	vst v1  }
0x37: {  	[tilespmem:$0x3280] =	vst v1  }
0x38: {  	[tilespmem:$0x3290] =	vst v1  }
0x39: {  	[tilespmem:$0x32A0] =	vst v1  }
0x3a: {  	[tilespmem:$0x32B0] =	vst v1  }
0x3b: {  	[tilespmem:$0x32C0] =	vst v1  }
0x3c: {  	[tilespmem:$0x32D0] =	vst v1  }
0x3d: {  	[tilespmem:$0x32E0] =	vst v1  }
0x3e: {  	[tilespmem:$0x32F0] =	vst v1  }
0x3f: {  	[spmem:s4] =	stream.linear.scatter [tilespmem:s8], [sflag:$0x2], $0x280, $0x38;
	[tilespmem:$0x3580] =	vst v63  }
0x40: {  	_ =	swait.ge [sflag:s9], $0x280  }
0x41: {  	[sflag:s9] =	ssyncset.done $0x0  }
0x42: {  	[sflag:s9] =	ssyncadd.s32 $0xFFFFFD80  }
0x43: {  	[tilespmem:s3], [sflag:$0x2] =	stream.linear.gather [hbm4b:s5+s3], $0x2D00, $0x38;
	[tilespmem:$0x3580] =	vst v63  }
0x44: {  	_ =	swait.ge [sflag:s9], $0x2D00  }
0x45: {  	[sflag:s9] =	ssyncset.done $0x0  }
0x46: {  	[sflag:s9] =	ssyncadd.s32 $0xFFFFD300  }
0x47: {  	s18 =	simm.s32 $0x0;
	[bflag:$0x0] =	sbarrier.arrive $0xFFFF  }
.LBB2_2:
0x48: {  	p0 =	sne.s32 s18, $0xB200  }
.Ltmp0:
0x49: {  	_ = 	snop;
	(pc) =	sbr.rel @p0 .LBB2_2-.Ltmp0, $3  }
0x4a: {  	_ =	sdelay $0x1  }
0x4b: {  	s19 =	sshra.s32 s18, $0x2;
	s18 =	sadd.s32 $0x200, s18  }
0x4c: {  	[spmem:s2] =	stream.indirect.scatter.add.f32 [tilespmem:s11], [sflag:$0x1], $0x1, s19, s10, $0xb8;
	[tilespmem:$0x3580] =	vst v63  }
0x4d: {  	_ =	swait.ge [sflag:s12], $0x70  }
0x4e: {  	s18 =	simm.s32 $0x59;
	[sflag:s12] =	ssyncset.done $0x0  }
.LBB2_4:
0x4f: {  	p0 =	sne.s32 s18, $0x1;
	s18 =	sadd.s32 $0xFFFFFFFF, s18;
	[sflag:s12] =	ssyncadd.s32 $0xFFFFFF90  }
.Ltmp1:
0x50: {  	(pc) =	sbr.rel @p0 .LBB2_4-.Ltmp1, $3  }
0x51: {  	_ =	sdelay $0x1  }
0x52: {  	_ =	swait.ge [sflag:s12], $0x70  }
0x53: {  	[sflag:s12] =	ssyncset.done $0x0  }
0x54: {  	s17 =	sadd.s32 $0x1, s17  }
0x55: {  	[sflag:s12] =	ssyncadd.s32 $0xFFFFFF90;
	p0 =	sne.s32 s17, s7  }
.Ltmp2:
0x56: {  	[bflag:$0x0] =	sbarrier.arrive $0xFFFF;
	(pc) =	sbr.rel @p0 .LBB2_1-.Ltmp2, $4  }
0x57: {  	[hbm:s6@s15], [sflag:s13] =	dma.strided [spmem:s14@s16], $0x50, s12, $0x10   }
0x58: {  	_ =	swait.ge [sflag:s9], $0x50  }
0x59: {  	[sflag:s9] =	ssyncset.done $0x0  }
0x5a: {  	[sflag:s9] =	ssyncadd.s32 $0xFFFFFFB0  }
0x5b: {  	_ =	sfence.sel $0x180000  }
0x5c: {  	[bflag:$0x0] =	sbarrier.arrive $0xFFFF  }
0x5d: {  	p0 =	sne.s32 s1, $0x0;
	_ =	strace $0x90000047  }
0x5e: {  	s0 =	sadd.s32 @!p0 $0x100000, s0;
	[bflag:$0x2] =	sbarrier.arrive $0xFFFF  }
0x5f: {  	[sflag:s0] =	ssyncadd.tile.s32 @!p0 $0x1;
	_ =	shalt  }
.Lfunc_end2:
_tile_overlayer_lowered:
.L_overlay_start_2:
0x60: {  	(tag) =	ssettag $0x2  }
0x61: {  	s0 =	rddreg [dreg:$0x0];
	s2 =	stileid.u32  }
0x62: {  	s1 =	rddreg [dreg:$0x1];
	p0 =	sne.s32 s2, $0x0  }
0x63: {  	s3 =	rddreg [dreg:$0x2];
	[bflag:$0x3] =	sbarrier.arrive $0xFFFF;
	s2 =	simm.s32 @!p0 $0x1C02  }
0x64: {  	[timem:s3], [sflag:s2] =	dma.local @!p0 [hbm:s0], s1  }
0x65: {  	s0 =	simm.s32 @!p0 $0x2  }
0x66: {  	_ =	swait.ge @!p0 [sflag:s0], s1  }
0x67: {  	s1 =	ssub.s32 @!p0 $0x0, s1;
	[sflag:s0] =	ssyncset.done @!p0 $0x0  }
0x68: {  	[sflag:s0] =	ssyncadd.s32 @!p0 s1  }
0x69: {  	[bflag:$0x3] =	sbarrier.arrive $0xFFFF  }
0x6a: {  	_ =	shalt  }

// kernel: kernel.9.cloned.1.call-start
scs
__scs_entry_jumppad:
0x0: {  	(pc) =	sbr.rel $0x88, $3  }
0x1: {  	(tag) =	ssettag $0x0;
	lr =	simm.s32 $0x1  }
0x2: {  	[smem:$0x3F9D] =	sst lr;
	_ =	strace $0xD0000000  }
0x3: {  	_ = 	snop  }
0x4: {  	_ = 	snop  }
0x5: {  	_ = 	snop  }
0x6: {  	_ = 	snop  }
0x7: {  	_ = 	snop  }
__scs_overlays_trampoline_lowered:
0x8: {  	[smem:$0x3FAC] =	sst s0  }
0x9: {  	[smem:$0x3FAD] =	sst s1  }
0xa: {  	[smem:$0x3FAE] =	sst s2  }
0xb: {  	[smem:$0x3FAF] =	sst s3  }
0xc: {  	[smem:$0x3FB0] =	sst s4  }
0xd: {  	[smem:$0x3FB1] =	sst s5  }
0xe: {  	[smem:$0x3FB2] =	sst s6  }
0xf: {  	[smem:$0x3FB3] =	sst s7  }
0x10: {  	[smem:$0x3FB4] =	sst s8  }
0x11: {  	[smem:$0x3FB5] =	sst s9;
	s0 =	simm.s32 @!p0 $0x0  }
0x12: {  	s1 =	sld [smem:$0x3F9B];
	s0 =	simm.s32 @p0 $0x1  }
0x13: {  	[smem:$0x3FB6] =	sst s0;
	s0 =	simm.s32 @!p1 $0x0  }
0x14: {  	s2 =	sld [smem:$0x3F9A];
	s0 =	simm.s32 @p1 $0x1  }
0x15: {  	[smem:$0x3FB7] =	sst s0;
	s0 =	simm.s32 @!p2 $0x0  }
0x16: {  	s3 =	sld [smem:$0x3FDB];
	s0 =	simm.s32 @p2 $0x1  }
0x17: {  	s4 =	simm.s32 $0x1BF5;
	[smem:$0x3FB9] =	sst s0  }
0x18: {  	s0 =	sld [smem:$0x3F9C];
	_ =	swait.ge [sflag:s4], $0x0  }
0x19: {  	s7 =	sld [smem:$0x3F9D]  }
0x1a: {  	s8 =	sadd.s32 $0xFFFFE003, lr  }
0x1b: {  	s9 =	sadd.s32 $0xFFFFFEF7, lr;
	s5 =	simm.s32 $0xFFFFFFFF;
	p2 =	slt.u32 s8, $0xFFFFF086  }
0x1c: {  	p1 =	slt.u32 s9, $0xF7A;
	s5 =	simm.s32 @!p2 $0x0  }
0x1d: {  	s5 =	simm.s32 @p1 $0x1;
	p0 =	seq.s32 s7, s2  }
0x1e: {  	s7 =	smul.u32 @!p0 $0xF7A, s2;
	p2 =	seq.s32 @!p0 s5, $0x0  }
0x1f: {  	s9 =	smul.u32 $0xF7A, s1;
	s8 =	simm.s32 @!p0 $0x1BF5;
	p2 =	por !p2, p0  }
0x20: {  	[sflag:s8] =	ssyncset.s32 @!p0 $0xFFFFF086;
	s6 =	sadd.s32 @!p0 s3, s7;
	s7 =	simm.s32 @!p0 $0x108  }
0x21: {  	s3 =	sadd.s32 s3, s9;
	s6 =	sadd.s32 @!p0 $0x88, s6;
	s7 =	simm.s32 @p2 $0x1082  }
0x22: {  	[simem:s7], [sflag:s8] =	dma.local @!p0 [hbm:s6], $0xF7A  }
0x23: {  	s9 =	sor.u32 $0xD0000000, s2;
	s6 =	simm.s32 $0x108;
	_ =	swait.ge @!p0 [sflag:s8], $0x0  }
0x24: {  	s3 =	sadd.s32 $0x88, s3;
	s6 =	simm.s32 @!p1 $0x1082;
	[sflag:s4] =	ssyncset.s32 $0xFFFFF086  }
0x25: {  	[simem:s6], [sflag:s4] =	dma.local [hbm:s3], $0xF7A  }
0x26: {  	[smem:$0x3F9D] =	sst s1;
	(tag) =	ssettag s2;
	_ =	strace s9  }
0x27: {  	s1 =	sld [smem:$0x3FAD]  }
0x28: {  	s2 =	sld [smem:$0x3FAE]  }
0x29: {  	s4 =	sld [smem:$0x3FB0]  }
0x2a: {  	p0 =	seq.s32 s5, $0x0;
	s5 =	sld [smem:$0x3FB1]  }
0x2b: {  	s6 =	sld [smem:$0x3FB2]  }
0x2c: {  	s7 =	sld [smem:$0x3FB3]  }
0x2d: {  	s3 =	simm.s32 $0x108;
	s8 =	sld [smem:$0x3FB4]  }
0x2e: {  	s3 =	simm.s32 @!p0 $0x1082;
	s9 =	sld [smem:$0x3FB5]  }
0x2f: {  	lr =	sadd.s32 s0, s3;
	s0 =	sld [smem:$0x3FAC]  }
0x30: {  	s3 =	sld [smem:$0x3FAF]  }
0x31: {  	[smem:$0x3FB8] =	sst s10  }
0x32: {  	s10 =	sld [smem:$0x3FB6];
	_ =	sdelay $0x3  }
0x33: {  	p0 =	seq.s32 s10, $0x1;
	s10 =	sld [smem:$0x3FB8];
	_ =	sdelay $0x3  }
0x34: {  	[smem:$0x3FB8] =	sst s10  }
0x35: {  	s10 =	sld [smem:$0x3FB7];
	_ =	sdelay $0x3  }
0x36: {  	p1 =	seq.s32 s10, $0x1;
	s10 =	sld [smem:$0x3FB8];
	_ =	sdelay $0x3  }
0x37: {  	[smem:$0x3FB8] =	sst s10  }
0x38: {  	s10 =	sld [smem:$0x3FB9]  }
0x39: {  	_ = 	snop;
	(pc) =	sbr.ind lr, $3  }
0x3a: {  	_ = 	snop  }
0x3b: {  	_ = 	snop  }
0x3c: {  	p2 =	seq.s32 s10, $0x1;
	s10 =	sld [smem:$0x3FB8]  }
0x3d: {  	_ =	shalt  }
0x3e: {  	_ =	shalt  }
0x3f: {  	_ =	shalt  }
0x40: {  	_ =	shalt  }
0x41: {  	_ =	shalt  }
0x42: {  	_ =	shalt  }
0x43: {  	_ =	shalt  }
0x44: {  	_ =	shalt  }
0x45: {  	_ =	shalt  }
0x46: {  	_ =	shalt  }
0x47: {  	_ =	shalt  }
0x48: {  	_ =	shalt  }
0x49: {  	_ =	shalt  }
0x4a: {  	_ =	shalt  }
0x4b: {  	_ =	shalt  }
0x4c: {  	_ =	shalt  }
0x4d: {  	_ =	shalt  }
0x4e: {  	_ =	shalt  }
0x4f: {  	_ =	shalt  }
0x50: {  	_ =	shalt  }
0x51: {  	_ =	shalt  }
0x52: {  	_ =	shalt  }
0x53: {  	_ =	shalt  }
0x54: {  	_ =	shalt  }
0x55: {  	_ =	shalt  }
0x56: {  	_ =	shalt  }
0x57: {  	_ =	shalt  }
0x58: {  	_ =	shalt  }
0x59: {  	_ =	shalt  }
0x5a: {  	_ =	shalt  }
0x5b: {  	_ =	shalt  }
0x5c: {  	_ =	shalt  }
0x5d: {  	_ =	shalt  }
0x5e: {  	_ =	shalt  }
0x5f: {  	_ =	shalt  }
0x60: {  	_ =	shalt  }
0x61: {  	_ =	shalt  }
0x62: {  	_ =	shalt  }
0x63: {  	_ =	shalt  }
0x64: {  	_ =	shalt  }
0x65: {  	_ =	shalt  }
0x66: {  	_ =	shalt  }
0x67: {  	_ =	shalt  }
0x68: {  	_ =	shalt  }
0x69: {  	_ =	shalt  }
0x6a: {  	_ =	shalt  }
0x6b: {  	_ =	shalt  }
0x6c: {  	_ =	shalt  }
0x6d: {  	_ =	shalt  }
0x6e: {  	_ =	shalt  }
0x6f: {  	_ =	shalt  }
0x70: {  	_ =	shalt  }
0x71: {  	_ =	shalt  }
0x72: {  	_ =	shalt  }
0x73: {  	_ =	shalt  }
0x74: {  	_ =	shalt  }
0x75: {  	_ =	shalt  }
0x76: {  	_ =	shalt  }
0x77: {  	_ =	shalt  }
0x78: {  	_ =	shalt  }
0x79: {  	_ =	shalt  }
0x7a: {  	_ =	shalt  }
0x7b: {  	_ =	shalt  }
0x7c: {  	_ =	shalt  }
0x7d: {  	_ =	shalt  }
0x7e: {  	_ =	shalt  }
0x7f: {  	_ =	shalt  }
0x80: {  	_ =	shalt  }
0x81: {  	_ =	shalt  }
0x82: {  	_ =	shalt  }
0x83: {  	_ =	shalt  }
0x84: {  	_ =	shalt  }
0x85: {  	_ =	shalt  }
0x86: {  	_ =	shalt  }
0x87: {  	_ =	shalt  }
.Lfunc_end0:
.L_simem_size_0:
called_computation.1_lowered:
.L_overlay_start_0:
0x88: {  	s2 =	sld [smem:$0x3FD9]  }
0x89: {  	s3 =	sld [smem:$0x3FFE];
	_ =	sdelay $0x1  }
0x8a: {  	s1 =	srdreg.scid  }
0x8b: {  	s0 =	sand.u32 $0x1, s1  }
0x8c: {  	s17 =	sshll.u32 s0, $0xA;
	s2 =	sadd.s32 s3, s2  }
0x8d: {  	s2 =	sadd.s32 s2, s17  }
0x8e: {  	[smem:$0x3FC4] =	sst s2  }
0x8f: {  	_ = 	snop  }
0x90: {  	s2 =	sld [smem:$0x3FD0];
	(tm) =	ssettm $0x1  }
0x91: {  	s18 =	sld [smem:$0x3FFB];
	_ =	sdelay $0x3  }
0x92: {  	_ =	strace s18  }
0x93: {  	s3 =	sld [smem:$0x3FFC];
	_ =	sdelay $0x3  }
0x94: {  	_ =	strace s3  }
0x95: {  	s3 =	sld [smem:$0x3FFD];
	_ =	sdelay $0x3  }
0x96: {  	_ =	strace s3  }
0x97: {  	_ =	strace $0x8FFFFFFF  }
0x98: {  	s19 =	sld [smem:$0x3FDB];
	_ =	sdelay $0x1  }
0x99: {  	s4 =	simm.s32 $_scs_section_size  }
0x9a: {  	s5 =	simm.s32 $_size__tile_overlayer_lowered;
	s6 =	simm.s32 $_tile_overlayer_lowered  }
0x9b: {  	s22 =	simm.s32 $0x1BFF;
	s21 =	sshll.u32 s6, $0x1;
	s3 =	sadd.s32 s4, s19  }
0x9c: {  	s7 =	simm.s32 $0x0;
	s20 =	sshll.u32 s5, $0x1;
	s5 =	sadd.s32 s21, s3  }
0x9d: {  	[timem:s7], [sflag:s22] =	dma.local [hbm:s5], s20  }
0x9e: {  	_ =	swait.ge [sflag:s22], s20  }
0x9f: {  	s4 =	ssub.s32 $0x0, s20;
	[sflag:s22] =	ssyncset.done $0x0  }
0xa0: {  	[sflag:s22] =	ssyncadd.s32 s4;
	_ =	sdelay $0x1  }
0xa1: {  	s23 =	simm.s32 $0x1B8B  }
0xa2: {  	_ =	swait.ge [sflag:s23], $0x1  }
0xa3: {  	[sflag:s23] =	ssyncset.done $0x0  }
0xa4: {  	s25 =	simm.s32 $0x1B8E;
	s24 =	sld [smem:$0x3FFE];
	[sflag:s23] =	ssyncadd.s32 $0xFFFFFFFF  }
0xa5: {  	s26 =	simm.s32 $execute0_lowered;
	[smem:$0x3FD2] =	sst s25  }
0xa6: {  	s5 =	sshll.u32 s26, $0x1;
	_ =	strace $0x80000049;
	[dreg:$0x1] =	wrdreg $0xFFFFFFFF  }
0xa7: {  	s28 =	simm.s32 $_size_execute0_lowered;
	s3 =	sadd.s32 s3, s5;
	[dreg:$0x0] =	wrdreg $0x0  }
0xa8: {  	s5 =	sshll.u32 s28, $0x1;
	[dreg:$0x2] =	wrdreg s3  }
0xa9: {  	[dreg:$0x3] =	wrdreg s5  }
0xaa: {  	[dreg:$0x4] =	wrdreg $0xC0  }
0xab: {  	_ =	task [dreg:s7], $0x5FFFF  }
0xac: {  	[dreg:$0x1] =	wrdreg $0xFFFFFFFF  }
0xad: {  	[dreg:$0x0] =	wrdreg $0x60  }
0xae: {  	[dreg:$0x2] =	wrdreg s24  }
0xaf: {  	[dreg:$0x3] =	wrdreg s2  }
0xb0: {  	[dreg:$0x4] =	wrdreg $0xB8000  }
0xb1: {  	[dreg:$0x5] =	wrdreg $0x9  }
0xb2: {  	_ =	task.clear_ibuf [dreg:s7], $0x6FFFF;
	_ =	strace $0x90000049  }
0xb3: {  	s29 =	simm.s32 $0x9;
	_ =	strace $0x8000004B  }
0xb4: {  	_ =	swait.ge [sflag:s29], $0x1  }
0xb5: {  	[sflag:s29] =	ssyncadd.s32 $0xFFFFFFFF  }
0xb6: {  	_ =	strace $0x9000004B  }
0xb7: {  	_ =	sfence  }
0xb8: {  	s30 =	sld [smem:$0x0];
	_ =	sdelay $0x2  }
0xb9: {  	s31 =	sshll.u32 s1, $0xD;
	s1 =	sshrl.u32 s1, $0x2  }
0xba: {  	s3 =	sand.u32 $0x4000, s31;
	s1 =	sadd.s32 s1, s30  }
0xbb: {  	s0 =	sor.u32 s3, s0;
	s1 =	sshll.u32 s1, $0x11  }
0xbc: {  	s0 =	sor.u32 s1, s0  }
0xbd: {  	s0 =	sadd.s32 $0x8F2B, s0  }
0xbe: {  	[sflag:s0] =	ssyncadd.remote.s32 $0x1  }
0xbf: {  	_ =	sfence.sel $0xFFFF  }
0xc0: {  	[dreg:$0x0] =	wrdreg $0xFFFFFFFF;
	(pc) =	sbr.abs _section_cstart, $3  }
0xc1: {  	[dreg:$0x1] =	wrdreg $0xFFFFFFFF  }
0xc2: {  	_ =	task.clear_ibuf [dreg:s7], $0x2FFFF;
	_ =	strace $0x9FFFFFFF  }
0xc3: {  	(tm) =	ssettm $0x7FFFFFFF  }
tec
execute0_lowered:
.L_overlay_start_1:
0x0: {  	(tag) =	ssettag $0x1  }
0x1: {  	s0 =	rddreg [dreg:$0x0]  }
0x2: {  	s2 =	rddreg [dreg:$0x1];
	s1 =	srdreg.scid  }
0x3: {  	s3 =	rddreg [dreg:$0x2];
	s25 =	stileid.u32;
	s4 =	simm.s32 $0x0  }
0x4: {  	s18 =	simm.s32 $0x1000;
	s19 =	simm.s32 $0x4;
	s21 =	simm.s32 $0x70  }
0x5: {  	s23 =	simm.s32 $0x4800;
	s24 =	simm.s32 $0x1;
	s6 =	smul.u32 $0x14000, s25  }
0x6: {  	s11 =	sand.u32 $0x1, s1;
	[smem:$0x7FF] =	sst s4;
	s8 =	smul.u32 $0x50000, s25  }
0x7: {  	s26 =	sshll.u32 s25, $0x1;
	s15 =	smul.u32 $0x7800, s25;
	s25 =	simm.s32 $0x8000  }
0x8: {  	s5 =	smul.u32 $0x140000, s11;
	_ =	strace $0x8000004A;
	s9 =	ssub.s32 $0x2, s11  }
0x9: {  	s10 =	sor.u32 s11, s26;
	s17 =	smul.u32 $0x3C00, s11;
	s26 =	simm.s32 $0x2  }
0xa: {  	s28 =	sshrl.u32 s8, $0x2;
	s29 =	sshrl.u32 s9, $0x1;
	s13 =	smul.u32 $0x3C00, s10  }
0xb: {  	s6 =	sadd.s32 s6, s5;
	s5 =	sadd.s32 $0x1D400, s0;
	s16 =	ssub.s32 s9, s29  }
0xc: {  	s17 =	sadd.s32 s17, s15;
	s7 =	sshrl.u32 s6, $0x3;
	s6 =	sadd.s32 $0xE400, s0  }
0xd: {  	s14 =	sshrl.u32 s13, $0x3;
	s16 =	smax.u32 s16, $0x1;
	s17 =	sadd.s32 $0x400, s17  }
0xe: {  	s0 =	sadd.s32 s7, s0;
	s7 =	sadd.s32 s28, s3;
	s13 =	sadd.s32 s2, s14  }
0xf: {  	s14 =	sadd.s32 s6, s14;
	s30 =	sadd.s32 $0x3800, s7;
	s31 =	sadd.s32 $0x7000, s7  }
0x10: {  	s10 =	sadd.s32 $0xA800, s7;
	s11 =	sadd.s32 $0xE000, s7;
	[dreg:$0x4] =	wrdreg s30  }
0x11: {  	v0 =	vimm.f32 $0.0e+00;
	s12 =	sadd.s32 $0x11800, s7;
	s15 =	sadd.s32 $0x45400, s0;
	[dreg:$0x5] =	wrdreg s31  }
.LBB2_1:
0x12: {  	s0 =	simm.s32 $0x0;
	s20 =	simm.s32 $0x200  }
.LBB2_2:
0x13: {  	p0 =	sne.s32 s20, $0xDE00;
	[tilespmem:s0+$0x1070] =	vst v0  }
0x14: {  	[tilespmem:s0+$0x1000] =	vst v0  }
0x15: {  	[tilespmem:s0+$0x1010] =	vst v0  }
.Ltmp0:
0x16: {  	[tilespmem:s0+$0x1020] =	vst v0;
	(pc) =	sbr.rel @p0 .LBB2_2-.Ltmp0, $4  }
0x17: {  	[tilespmem:s0+$0x1030] =	vst v0  }
0x18: {  	[tilespmem:s0+$0x1040] =	vst v0  }
0x19: {  	[tilespmem:s0+$0x1050] =	vst v0  }
0x1a: {  	[tilespmem:s0+$0x1060] =	vst v0;
	s0 =	sshra.s32 s20, $0x2;
	s20 =	sadd.s32 $0x200, s20  }
0x1b: {  	[tilespmem:s0+$0x1070] =	vst v0  }
0x1c: {  	[tilespmem:s0+$0x1000] =	vst v0  }
0x1d: {  	[tilespmem:s0+$0x1010] =	vst v0  }
0x1e: {  	[tilespmem:s0+$0x1020] =	vst v0  }
0x1f: {  	[tilespmem:s0+$0x1030] =	vst v0  }
0x20: {  	[tilespmem:s0+$0x1040] =	vst v0  }
0x21: {  	[tilespmem:s0+$0x1050] =	vst v0  }
0x22: {  	[tilespmem:s0+$0x1060] =	vst v0  }
0x23: {  	[spmem:s7] =	stream.linear.scatter [tilespmem:s18], [sflag:$0x4], $0x3800, $0x38;
	[tilespmem:$0x1F800] =	vst v63  }
0x24: {  	_ =	swait.ge [sflag:s19], $0x3800  }
0x25: {  	[sflag:s19] =	ssyncset.done $0x0  }
0x26: {  	s1 =	rddreg [dreg:$0x4];
	[sflag:s19] =	ssyncadd.s32 $0xFFFFC800  }
0x27: {  	[spmem:s1] =	stream.linear.scatter [tilespmem:s18], [sflag:$0x4], $0x3800, $0x38;
	[tilespmem:$0x1F800] =	vst v63  }
0x28: {  	_ =	swait.ge [sflag:s19], $0x3800  }
0x29: {  	[sflag:s19] =	ssyncset.done $0x0  }
0x2a: {  	s8 =	rddreg [dreg:$0x5];
	[sflag:s19] =	ssyncadd.s32 $0xFFFFC800  }
0x2b: {  	[spmem:s8] =	stream.linear.scatter [tilespmem:s18], [sflag:$0x4], $0x3800, $0x38;
	[tilespmem:$0x1F800] =	vst v63  }
0x2c: {  	_ =	swait.ge [sflag:s19], $0x3800  }
0x2d: {  	[sflag:s19] =	ssyncset.done $0x0  }
0x2e: {  	[sflag:s19] =	ssyncadd.s32 $0xFFFFC800  }
0x2f: {  	[spmem:s10] =	stream.linear.scatter [tilespmem:s18], [sflag:$0x4], $0x3800, $0x38;
	[tilespmem:$0x1F800] =	vst v63  }
0x30: {  	_ =	swait.ge [sflag:s19], $0x3800  }
0x31: {  	[sflag:s19] =	ssyncset.done $0x0  }
0x32: {  	[sflag:s19] =	ssyncadd.s32 $0xFFFFC800  }
0x33: {  	[spmem:s11] =	stream.linear.scatter [tilespmem:s18], [sflag:$0x4], $0x3800, $0x38;
	[tilespmem:$0x1F800] =	vst v63  }
0x34: {  	_ =	swait.ge [sflag:s19], $0x3800  }
0x35: {  	[sflag:s19] =	ssyncset.done $0x0  }
0x36: {  	[sflag:s19] =	ssyncadd.s32 $0xFFFFC800  }
0x37: {  	[spmem:s12] =	stream.linear.scatter [tilespmem:s18], [sflag:$0x4], $0x2800, $0x38;
	[tilespmem:$0x1F800] =	vst v63  }
0x38: {  	_ =	swait.ge [sflag:s19], $0x2800  }
0x39: {  	[sflag:s19] =	ssyncset.done $0x0  }
0x3a: {  	s9 =	simm.s32 $0x0;
	[sflag:s19] =	ssyncadd.s32 $0xFFFFD800  }
0x3b: {  	[tilespmem:s9], [sflag:$0x4] =	stream.linear.gather [hbm4b:s13+s9], $0x300, $0x38;
	[tilespmem:$0x1F800] =	vst v63  }
0x3c: {  	_ =	swait.ge [sflag:s19], $0x300  }
0x3d: {  	[sflag:s19] =	ssyncset.done $0x0  }
0x3e: {  	s1 =	simm.s32 $0x800;
	[sflag:s19] =	ssyncadd.s32 $0xFFFFFD00  }
0x3f: {  	[tilespmem:s1], [sflag:$0x4] =	stream.linear.gather [hbm4b:s14+s9], $0x300, $0x38;
	[tilespmem:$0x1F800] =	vst v63  }
0x40: {  	_ =	swait.ge [sflag:s19], $0x300  }
0x41: {  	[sflag:s19] =	ssyncset.done $0x0  }
0x42: {  	[sflag:s19] =	ssyncadd.s32 $0xFFFFFD00  }
0x43: {  	[bflag:$0x0] =	sbarrier.arrive $0xFFFF  }
0x44: {  	[tilespmem:s18], [sflag:$0x1] =	stream.indirect.gather [hbm4b:s5+s21], $0x80, s9, s21, $0xb8;
	[tilespmem:$0x1F800] =	vst v63  }
0x45: {  	s20 =	simm.s32 $0x80;
	p0 =	por $0x0, $0x0;
	s0 =	sand.u32 $0x1, s9  }
0x46: {  	[tilespmem:s23], [sflag:$0x1] =	stream.indirect.gather [hbm4b:s5+s21], $0x80, s20, s21, $0xb8;
	[tilespmem:$0x1F800] =	vst v63  }
0x47: {  	s22 =	sshrl.u32 @!p0 s17, $0x3;
	s20 =	sxor.u32 $0x1, s0  }
0x48: {  	s29 =	simm.s32 @!p0 $0x0;
	s28 =	sshll.u32 @!p0 s20, $0xA;
	s20 =	sadd.s32 @!p0 s2, s22  }
0x49: {  	[tilespmem:s28], [sflag:$0x3] =	stream.linear.gather @!p0 [hbm4b:s20+s29], $0x300, $0x38;
	[tilespmem:$0x1F800] =	vst v63  }
0x4a: {  	s22 =	sadd.s32 @!p0 s6, s22;
	s20 =	sor.u32 @!p0 $0x800, s28  }
0x4b: {  	[tilespmem:s20], [sflag:$0x3] =	stream.linear.gather @!p0 [hbm4b:s22+s29], $0x300, $0x38;
	[tilespmem:$0x1F800] =	vst v63  }
0x4c: {  	_ =	swait.ge [sflag:s24], $0x3800  }
0x4d: {  	s0 =	sshll.u32 s0, $0xA;
	[sflag:s24] =	ssyncset.done $0x0  }
0x4e: {  	s22 =	sor.u32 $0x100, s0;
	[sflag:s24] =	ssyncadd.s32 $0xFFFFC800  }
0x4f: {  	[tilespmem:s25], [sflag:$0x1] =	stream.indirect.gather [hbm4b:s5+s21], $0x80, s22, s21, $0xb8;
	[tilespmem:$0x1F800] =	vst v63  }
0x50: {  	s30 =	sor.u32 $0x800, s0  }
0x51: {  	[spmem:s3] =	stream.indirect.scatter.add.f32 [tilespmem:s18], [sflag:$0x2], $0x80, s30, s21, $0xb8;
	[tilespmem:$0x1F800] =	vst v63  }
0x52: {  	_ =	swait.ge [sflag:s24], $0x3800  }
0x53: {  	[sflag:s24] =	ssyncset.done $0x0  }
0x54: {  	[sflag:s24] =	ssyncadd.s32 $0xFFFFC800  }
0x55: {  	_ =	swait.ge [sflag:s26], $0x3800  }
0x56: {  	[sflag:s26] =	ssyncset.done $0x0  }
0x57: {  	s31 =	sor.u32 $0x180, s0;
	[sflag:s26] =	ssyncadd.s32 $0xFFFFC800  }
0x58: {  	[tilespmem:s18], [sflag:$0x1] =	stream.indirect.gather [hbm4b:s5+s21], $0x80, s31, s21, $0xb8;
	[tilespmem:$0x1F800] =	vst v63  }
0x59: {  	s1 =	sor.u32 $0x880, s0  }
0x5a: {  	[spmem:s3] =	stream.indirect.scatter.add.f32 [tilespmem:s23], [sflag:$0x2], $0x80, s1, s21, $0xb8;
	[tilespmem:$0x1F800] =	vst v63  }
0x5b: {  	_ =	swait.ge [sflag:s24], $0x3800  }
0x5c: {  	[sflag:s24] =	ssyncset.done $0x0  }
0x5d: {  	[sflag:s24] =	ssyncadd.s32 $0xFFFFC800  }
0x5e: {  	_ =	swait.ge [sflag:s26], $0x3800  }
0x5f: {  	[sflag:s26] =	ssyncset.done $0x0  }
0x60: {  	s20 =	sor.u32 $0x200, s0;
	[sflag:s26] =	ssyncadd.s32 $0xFFFFC800  }
0x61: {  	[tilespmem:s23], [sflag:$0x1] =	stream.indirect.gather [hbm4b:s5+s21], $0x80, s20, s21, $0xb8;
	[tilespmem:$0x1F800] =	vst v63  }
0x62: {  	s8 =	sor.u32 $0x900, s0  }
0x63: {  	[spmem:s3] =	stream.indirect.scatter.add.f32 [tilespmem:s25], [sflag:$0x2], $0x80, s8, s21, $0xb8;
	[tilespmem:$0x1F800] =	vst v63  }
0x64: {  	_ =	swait.ge [sflag:s24], $0x3800  }
0x65: {  	[sflag:s24] =	ssyncset.done $0x0  }
0x66: {  	[sflag:s24] =	ssyncadd.s32 $0xFFFFC800  }
0x67: {  	_ =	swait.ge [sflag:s26], $0x3800  }
0x68: {  	[sflag:s26] =	ssyncset.done $0x0  }
0x69: {  	s9 =	sor.u32 $0x280, s0;
	[sflag:s26] =	ssyncadd.s32 $0xFFFFC800  }
0x6a: {  	[tilespmem:s25], [sflag:$0x1] =	stream.indirect.gather [hbm4b:s5+s21], $0x80, s9, s21, $0xb8;
	[tilespmem:$0x1F800] =	vst v63  }
0x6b: {  	s0 =	sor.u32 $0x980, s0  }
0x6c: {  	[spmem:s3] =	stream.indirect.scatter.add.f32 [tilespmem:s18], [sflag:$0x2], $0x80, s0, s21, $0xb8;
	[tilespmem:$0x1F800] =	vst v63  }
0x6d: {  	_ =	swait.ge [sflag:s24], $0x3800  }
0x6e: {  	[sflag:s24] =	ssyncset.done $0x0  }
0x6f: {  	[sflag:s24] =	ssyncadd.s32 $0xFFFFC800  }
0x70: {  	_ =	swait.ge [sflag:s26], $0x3800  }
0x71: {  	s29 =	sor.u32 @p0 $0x800, s20;
	[sflag:s26] =	ssyncset.done $0x0  }
0x72: {  	s30 =	simm.s32 @p0 $0x70;
	s0 =	simm.s32 @p0 $0x4800;
	[sflag:s26] =	ssyncadd.s32 $0xFFFFC800  }
0x73: {  	[spmem:s3] =	stream.indirect.scatter.add.f32 @p0 [tilespmem:s0], [sflag:$0x2], $0x80, s29, s30, $0xb8;
	[tilespmem:$0x1F800] =	vst v63  }
0x74: {  	s0 =	simm.s32 @p0 $0x1  }
0x75: {  	_ =	swait.ge @p0 [sflag:s0], $0x3800  }
0x76: {  	[sflag:s0] =	ssyncset.done @p0 $0x0  }
0x77: {  	[sflag:s0] =	ssyncadd.s32 @p0 $0xFFFFC800;
	s0 =	simm.s32 @p0 $0x2  }
0x78: {  	_ =	swait.ge @p0 [sflag:s0], $0x3800  }
0x79: {  	[sflag:s0] =	ssyncset.done @p0 $0x0  }
0x7a: {  	[sflag:s0] =	ssyncadd.s32 @p0 $0xFFFFC800;
	s0 =	simm.s32 @!p0 $0x3  }
0x7b: {  	_ =	swait.ge @!p0 [sflag:s0], $0x300  }
0x7c: {  	[sflag:s0] =	ssyncset.done @!p0 $0x0  }
0x7d: {  	[sflag:s0] =	ssyncadd.s32 @!p0 $0xFFFFFD00  }
0x7e: {  	_ =	swait.ge @!p0 [sflag:s0], $0x300  }
0x7f: {  	[sflag:s0] =	ssyncset.done @!p0 $0x0  }
0x80: {  	s29 =	simm.s32 @!p0 $0x1000;
	[sflag:s0] =	ssyncadd.s32 @!p0 $0xFFFFFD00;
	s0 =	simm.s32 @!p0 $0x70  }
0x81: {  	[tilespmem:s29], [sflag:$0x1] =	stream.indirect.gather @!p0 [hbm4b:s5+s0], $0x80, s28, s0, $0xb8;
	[tilespmem:$0x1F800] =	vst v63  }
0x82: {  	s20 =	sor.u32 @!p0 $0x800, s20;
	s29 =	simm.s32 @!p0 $0x4800  }
0x83: {  	[spmem:s3] =	stream.indirect.scatter.add.f32 @!p0 [tilespmem:s29], [sflag:$0x2], $0x80, s20, s0, $0xb8;
	[tilespmem:$0x1F800] =	vst v63  }
0x84: {  	s20 =	simm.s32 @!p0 $0x1  }
0x85: {  	_ =	swait.ge @!p0 [sflag:s20], $0x3800  }
0x86: {  	[sflag:s20] =	ssyncset.done @!p0 $0x0  }
0x87: {  	[sflag:s20] =	ssyncadd.s32 @!p0 $0xFFFFC800;
	s20 =	simm.s32 @!p0 $0x2  }
0x88: {  	_ =	swait.ge @!p0 [sflag:s20], $0x3800  }
0x89: {  	[sflag:s20] =	ssyncset.done @!p0 $0x0  }
0x8a: {  	[sflag:s20] =	ssyncadd.s32 @!p0 $0xFFFFC800;
	s20 =	sor.u32 @!p0 $0x80, s28  }
0x8b: {  	[tilespmem:s29], [sflag:$0x1] =	stream.indirect.gather @!p0 [hbm4b:s5+s0], $0x80, s20, s0, $0xb8;
	[tilespmem:$0x1F800] =	vst v63  }
0x8c: {  	s31 =	sor.u32 $0x800, s9;
	s30 =	simm.s32 $0x1  }
0x8d: {  	[spmem:s3] =	stream.indirect.scatter.add.f32 [tilespmem:s25], [sflag:$0x2], $0x80, s31, s21, $0xb8;
	[tilespmem:$0x1F800] =	vst v63  }
0x8e: {  	s28 =	sadd.s32 $0x400, s17;
	s29 =	simm.s32 $0x2;
	_ =	swait.ge [sflag:s26], $0x3800  }
0x8f: {  	s0 =	sand.u32 $0x1, s30;
	p0 =	por $0x0, $0x0;
	[sflag:s26] =	ssyncset.done $0x0  }
.LBB2_4:
0x90: {  	s20 =	sxor.u32 $0x1, s0  }
0x91: {  	s22 =	sshrl.u32 @!p0 s28, $0x3;
	[sflag:s26] =	ssyncadd.s32 $0xFFFFC800;
	s30 =	smov.u32 s29  }
0x92: {  	s1 =	simm.s32 @!p0 $0x0;
	s31 =	sshll.u32 @!p0 s20, $0xA;
	s20 =	sadd.s32 @!p0 s2, s22  }
0x93: {  	[tilespmem:s31], [sflag:$0x3] =	stream.linear.gather @!p0 [hbm4b:s20+s1], $0x300, $0x38;
	[tilespmem:$0x1F800] =	vst v63  }
0x94: {  	s29 =	sadd.s32 $0x1, s29;
	s22 =	sadd.s32 @!p0 s6, s22;
	s20 =	sor.u32 @!p0 $0x800, s31  }
0x95: {  	[tilespmem:s20], [sflag:$0x3] =	stream.linear.gather @!p0 [hbm4b:s22+s1], $0x300, $0x38;
	[tilespmem:$0x1F800] =	vst v63  }
0x96: {  	p1 =	sne.s32 s29, $0xF;
	_ =	swait.ge [sflag:s24], $0x3800  }
0x97: {  	s22 =	sshll.u32 s0, $0xA;
	[sflag:s24] =	ssyncset.done $0x0  }
0x98: {  	s0 =	sor.u32 $0x100, s22;
	[sflag:s24] =	ssyncadd.s32 $0xFFFFC800  }
0x99: {  	[tilespmem:s25], [sflag:$0x1] =	stream.indirect.gather [hbm4b:s5+s21], $0x80, s0, s21, $0xb8;
	[tilespmem:$0x1F800] =	vst v63  }
0x9a: {  	s0 =	sor.u32 $0x800, s22  }
0x9b: {  	[spmem:s3] =	stream.indirect.scatter.add.f32 [tilespmem:s18], [sflag:$0x2], $0x80, s0, s21, $0xb8;
	[tilespmem:$0x1F800] =	vst v63  }
0x9c: {  	_ =	swait.ge [sflag:s24], $0x3800  }
0x9d: {  	[sflag:s24] =	ssyncset.done $0x0  }
0x9e: {  	[sflag:s24] =	ssyncadd.s32 $0xFFFFC800  }
0x9f: {  	_ =	swait.ge [sflag:s26], $0x3800  }
0xa0: {  	[sflag:s26] =	ssyncset.done $0x0  }
0xa1: {  	s0 =	sor.u32 $0x180, s22;
	[sflag:s26] =	ssyncadd.s32 $0xFFFFC800  }
0xa2: {  	[tilespmem:s18], [sflag:$0x1] =	stream.indirect.gather [hbm4b:s5+s21], $0x80, s0, s21, $0xb8;
	[tilespmem:$0x1F800] =	vst v63  }
0xa3: {  	s0 =	sor.u32 $0x880, s22  }
0xa4: {  	[spmem:s3] =	stream.indirect.scatter.add.f32 [tilespmem:s23], [sflag:$0x2], $0x80, s0, s21, $0xb8;
	[tilespmem:$0x1F800] =	vst v63  }
0xa5: {  	_ =	swait.ge [sflag:s24], $0x3800  }
0xa6: {  	[sflag:s24] =	ssyncset.done $0x0  }
0xa7: {  	[sflag:s24] =	ssyncadd.s32 $0xFFFFC800  }
0xa8: {  	_ =	swait.ge [sflag:s26], $0x3800  }
0xa9: {  	[sflag:s26] =	ssyncset.done $0x0  }
0xaa: {  	s20 =	sor.u32 $0x200, s22;
	[sflag:s26] =	ssyncadd.s32 $0xFFFFC800  }
0xab: {  	[tilespmem:s23], [sflag:$0x1] =	stream.indirect.gather [hbm4b:s5+s21], $0x80, s20, s21, $0xb8;
	[tilespmem:$0x1F800] =	vst v63  }
0xac: {  	s0 =	sor.u32 $0x900, s22  }
0xad: {  	[spmem:s3] =	stream.indirect.scatter.add.f32 [tilespmem:s25], [sflag:$0x2], $0x80, s0, s21, $0xb8;
	[tilespmem:$0x1F800] =	vst v63  }
0xae: {  	_ =	swait.ge [sflag:s24], $0x3800  }
0xaf: {  	[sflag:s24] =	ssyncset.done $0x0  }
0xb0: {  	[sflag:s24] =	ssyncadd.s32 $0xFFFFC800  }
0xb1: {  	_ =	swait.ge [sflag:s26], $0x3800  }
0xb2: {  	[sflag:s26] =	ssyncset.done $0x0  }
0xb3: {  	s0 =	sor.u32 $0x280, s22;
	[sflag:s26] =	ssyncadd.s32 $0xFFFFC800  }
0xb4: {  	[tilespmem:s25], [sflag:$0x1] =	stream.indirect.gather [hbm4b:s5+s21], $0x80, s0, s21, $0xb8;
	[tilespmem:$0x1F800] =	vst v63  }
0xb5: {  	s1 =	sor.u32 $0x980, s22  }
0xb6: {  	[spmem:s3] =	stream.indirect.scatter.add.f32 [tilespmem:s18], [sflag:$0x2], $0x80, s1, s21, $0xb8;
	[tilespmem:$0x1F800] =	vst v63  }
0xb7: {  	_ =	swait.ge [sflag:s24], $0x3800  }
0xb8: {  	[sflag:s24] =	ssyncset.done $0x0  }
0xb9: {  	[sflag:s24] =	ssyncadd.s32 $0xFFFFC800  }
0xba: {  	_ =	swait.ge [sflag:s26], $0x3800  }
0xbb: {  	s22 =	simm.s32 @p0 $0x1;
	s1 =	simm.s32 @p0 $0x4800;
	[sflag:s26] =	ssyncset.done $0x0  }
0xbc: {  	s9 =	simm.s32 @p0 $0x70;
	s8 =	sor.u32 @p0 $0x800, s20;
	[sflag:s26] =	ssyncadd.s32 $0xFFFFC800  }
0xbd: {  	[spmem:s3] =	stream.indirect.scatter.add.f32 @p0 [tilespmem:s1], [sflag:$0x2], $0x80, s8, s9, $0xb8;
	[tilespmem:$0x1F800] =	vst v63  }
0xbe: {  	_ =	swait.ge @p0 [sflag:s22], $0x3800  }
0xbf: {  	[sflag:s22] =	ssyncset.done @p0 $0x0  }
0xc0: {  	s1 =	simm.s32 @p0 $0x2;
	[sflag:s22] =	ssyncadd.s32 @p0 $0xFFFFC800  }
0xc1: {  	_ =	swait.ge @p0 [sflag:s1], $0x3800  }
0xc2: {  	[sflag:s1] =	ssyncset.done @p0 $0x0  }
0xc3: {  	[sflag:s1] =	ssyncadd.s32 @p0 $0xFFFFC800;
	s1 =	simm.s32 @!p0 $0x3  }
0xc4: {  	_ =	swait.ge @!p0 [sflag:s1], $0x300  }
0xc5: {  	[sflag:s1] =	ssyncset.done @!p0 $0x0  }
0xc6: {  	[sflag:s1] =	ssyncadd.s32 @!p0 $0xFFFFFD00  }
0xc7: {  	_ =	swait.ge @!p0 [sflag:s1], $0x300  }
0xc8: {  	[sflag:s1] =	ssyncset.done @!p0 $0x0  }
0xc9: {  	s8 =	simm.s32 @!p0 $0x1000;
	[sflag:s1] =	ssyncadd.s32 @!p0 $0xFFFFFD00;
	s1 =	simm.s32 @!p0 $0x70  }
0xca: {  	[tilespmem:s8], [sflag:$0x1] =	stream.indirect.gather @!p0 [hbm4b:s5+s1], $0x80, s31, s1, $0xb8;
	[tilespmem:$0x1F800] =	vst v63  }
0xcb: {  	s9 =	simm.s32 @!p0 $0x4800;
	s8 =	sor.u32 @!p0 $0x800, s20;
	s20 =	simm.s32 @!p0 $0x1  }
0xcc: {  	[spmem:s3] =	stream.indirect.scatter.add.f32 @!p0 [tilespmem:s9], [sflag:$0x2], $0x80, s8, s1, $0xb8;
	[tilespmem:$0x1F800] =	vst v63  }
0xcd: {  	_ =	swait.ge @!p0 [sflag:s20], $0x3800  }
0xce: {  	[sflag:s20] =	ssyncset.done @!p0 $0x0  }
0xcf: {  	s8 =	simm.s32 @!p0 $0x2;
	[sflag:s20] =	ssyncadd.s32 @!p0 $0xFFFFC800  }
0xd0: {  	_ =	swait.ge @!p0 [sflag:s8], $0x3800  }
0xd1: {  	[sflag:s8] =	ssyncset.done @!p0 $0x0  }
0xd2: {  	[sflag:s8] =	ssyncadd.s32 @!p0 $0xFFFFC800;
	s8 =	sor.u32 @!p0 $0x80, s31  }
0xd3: {  	[tilespmem:s9], [sflag:$0x1] =	stream.indirect.gather @!p0 [hbm4b:s5+s1], $0x80, s8, s1, $0xb8;
	[tilespmem:$0x1F800] =	vst v63  }
.Ltmp1:
0xd4: {  	_ = 	snop;
	(pc) =	sbr.rel @p1 .LBB2_4-.Ltmp1, $4  }
0xd5: {  	s0 =	sor.u32 $0x800, s0  }
0xd6: {  	[spmem:s3] =	stream.indirect.scatter.add.f32 [tilespmem:s25], [sflag:$0x2], $0x80, s0, s21, $0xb8;
	[tilespmem:$0x1F800] =	vst v63  }
0xd7: {  	s28 =	sadd.s32 $0x400, s28;
	_ =	swait.ge [sflag:s26], $0x3800  }
0xd8: {  	p0 =	seq.s32 s30, $0xE;
	s0 =	sand.u32 $0x1, s30;
	[sflag:s26] =	ssyncset.done $0x0  }
0xd9: {  	s1 =	sxor.u32 $0x1, s0;
	s8 =	sshrl.u32 @!p0 s28, $0x3;
	[sflag:s26] =	ssyncadd.s32 $0xFFFFC800  }
0xda: {  	s9 =	simm.s32 @!p0 $0x0;
	s28 =	sshll.u32 @!p0 s1, $0xA;
	s1 =	sadd.s32 @!p0 s2, s8  }
0xdb: {  	[tilespmem:s28], [sflag:$0x3] =	stream.linear.gather @!p0 [hbm4b:s1+s9], $0x300, $0x38;
	[tilespmem:$0x1F800] =	vst v63  }
0xdc: {  	s8 =	sadd.s32 @!p0 s6, s8;
	s1 =	sor.u32 @!p0 $0x800, s28  }
0xdd: {  	[tilespmem:s1], [sflag:$0x3] =	stream.linear.gather @!p0 [hbm4b:s8+s9], $0x300, $0x38;
	[tilespmem:$0x1F800] =	vst v63  }
0xde: {  	_ =	swait.ge [sflag:s24], $0x3800  }
0xdf: {  	s0 =	sshll.u32 s0, $0xA;
	[sflag:s24] =	ssyncset.done $0x0  }
0xe0: {  	s9 =	sor.u32 $0x100, s0;
	[sflag:s24] =	ssyncadd.s32 $0xFFFFC800  }
0xe1: {  	[tilespmem:s25], [sflag:$0x1] =	stream.indirect.gather [hbm4b:s5+s21], $0x80, s9, s21, $0xb8;
	[tilespmem:$0x1F800] =	vst v63  }
0xe2: {  	s20 =	sor.u32 $0x800, s0  }
0xe3: {  	[spmem:s3] =	stream.indirect.scatter.add.f32 [tilespmem:s18], [sflag:$0x2], $0x80, s20, s21, $0xb8;
	[tilespmem:$0x1F800] =	vst v63  }
0xe4: {  	_ =	swait.ge [sflag:s24], $0x3800  }
0xe5: {  	[sflag:s24] =	ssyncset.done $0x0  }
0xe6: {  	[sflag:s24] =	ssyncadd.s32 $0xFFFFC800  }
0xe7: {  	_ =	swait.ge [sflag:s26], $0x3800  }
0xe8: {  	[sflag:s26] =	ssyncset.done $0x0  }
0xe9: {  	s22 =	sor.u32 $0x180, s0;
	[sflag:s26] =	ssyncadd.s32 $0xFFFFC800  }
0xea: {  	[tilespmem:s18], [sflag:$0x1] =	stream.indirect.gather [hbm4b:s5+s21], $0x80, s22, s21, $0xb8;
	[tilespmem:$0x1F800] =	vst v63  }
0xeb: {  	s29 =	sor.u32 $0x880, s0  }
0xec: {  	[spmem:s3] =	stream.indirect.scatter.add.f32 [tilespmem:s23], [sflag:$0x2], $0x80, s29, s21, $0xb8;
	[tilespmem:$0x1F800] =	vst v63  }
0xed: {  	_ =	swait.ge [sflag:s24], $0x3800  }
0xee: {  	[sflag:s24] =	ssyncset.done $0x0  }
0xef: {  	[sflag:s24] =	ssyncadd.s32 $0xFFFFC800  }
0xf0: {  	_ =	swait.ge [sflag:s26], $0x3800  }
0xf1: {  	[sflag:s26] =	ssyncset.done $0x0  }
0xf2: {  	s1 =	sor.u32 $0x200, s0;
	[sflag:s26] =	ssyncadd.s32 $0xFFFFC800  }
0xf3: {  	[tilespmem:s23], [sflag:$0x1] =	stream.indirect.gather [hbm4b:s5+s21], $0x80, s1, s21, $0xb8;
	[tilespmem:$0x1F800] =	vst v63  }
0xf4: {  	s30 =	sor.u32 $0x900, s0  }
0xf5: {  	[spmem:s3] =	stream.indirect.scatter.add.f32 [tilespmem:s25], [sflag:$0x2], $0x80, s30, s21, $0xb8;
	[tilespmem:$0x1F800] =	vst v63  }
0xf6: {  	_ =	swait.ge [sflag:s24], $0x3800  }
0xf7: {  	[sflag:s24] =	ssyncset.done $0x0  }
0xf8: {  	[sflag:s24] =	ssyncadd.s32 $0xFFFFC800  }
0xf9: {  	_ =	swait.ge [sflag:s26], $0x3800  }
0xfa: {  	[sflag:s26] =	ssyncset.done $0x0  }
0xfb: {  	s31 =	sor.u32 $0x280, s0;
	[sflag:s26] =	ssyncadd.s32 $0xFFFFC800  }
0xfc: {  	[tilespmem:s25], [sflag:$0x1] =	stream.indirect.gather [hbm4b:s5+s21], $0x80, s31, s21, $0xb8;
	[tilespmem:$0x1F800] =	vst v63  }
0xfd: {  	s0 =	sor.u32 $0x980, s0  }
0xfe: {  	[spmem:s3] =	stream.indirect.scatter.add.f32 [tilespmem:s18], [sflag:$0x2], $0x80, s0, s21, $0xb8;
	[tilespmem:$0x1F800] =	vst v63  }
0xff: {  	_ =	swait.ge [sflag:s24], $0x3800  }
0x100: {  	[sflag:s24] =	ssyncset.done $0x0  }
0x101: {  	[sflag:s24] =	ssyncadd.s32 $0xFFFFC800  }
0x102: {  	_ =	swait.ge [sflag:s26], $0x3800  }
0x103: {  	s9 =	simm.s32 @p0 $0x1;
	s20 =	sor.u32 @p0 $0x800, s1;
	[sflag:s26] =	ssyncset.done $0x0  }
0x104: {  	s22 =	simm.s32 @p0 $0x70;
	s0 =	simm.s32 @p0 $0x4800;
	[sflag:s26] =	ssyncadd.s32 $0xFFFFC800  }
0x105: {  	[spmem:s3] =	stream.indirect.scatter.add.f32 @p0 [tilespmem:s0], [sflag:$0x2], $0x80, s20, s22, $0xb8;
	[tilespmem:$0x1F800] =	vst v63  }
0x106: {  	_ =	swait.ge @p0 [sflag:s9], $0x3800  }
0x107: {  	[sflag:s9] =	ssyncset.done @p0 $0x0  }
0x108: {  	s0 =	simm.s32 @p0 $0x2;
	[sflag:s9] =	ssyncadd.s32 @p0 $0xFFFFC800  }
0x109: {  	_ =	swait.ge @p0 [sflag:s0], $0x3800  }
0x10a: {  	[sflag:s0] =	ssyncset.done @p0 $0x0  }
0x10b: {  	[sflag:s0] =	ssyncadd.s32 @p0 $0xFFFFC800;
	s0 =	simm.s32 @!p0 $0x3  }
0x10c: {  	_ =	swait.ge @!p0 [sflag:s0], $0x300  }
0x10d: {  	[sflag:s0] =	ssyncset.done @!p0 $0x0  }
0x10e: {  	[sflag:s0] =	ssyncadd.s32 @!p0 $0xFFFFFD00  }
0x10f: {  	_ =	swait.ge @!p0 [sflag:s0], $0x300  }
0x110: {  	[sflag:s0] =	ssyncset.done @!p0 $0x0  }
0x111: {  	s9 =	simm.s32 @!p0 $0x1000;
	[sflag:s0] =	ssyncadd.s32 @!p0 $0xFFFFFD00;
	s0 =	simm.s32 @!p0 $0x70  }
0x112: {  	[tilespmem:s9], [sflag:$0x1] =	stream.indirect.gather @!p0 [hbm4b:s5+s0], $0x80, s28, s0, $0xb8;
	[tilespmem:$0x1F800] =	vst v63  }
0x113: {  	s1 =	sor.u32 @!p0 $0x800, s1;
	s20 =	simm.s32 @!p0 $0x1;
	s9 =	simm.s32 @!p0 $0x4800  }
0x114: {  	[spmem:s3] =	stream.indirect.scatter.add.f32 @!p0 [tilespmem:s9], [sflag:$0x2], $0x80, s1, s0, $0xb8;
	[tilespmem:$0x1F800] =	vst v63  }
0x115: {  	_ =	swait.ge @!p0 [sflag:s20], $0x3800  }
0x116: {  	[sflag:s20] =	ssyncset.done @!p0 $0x0  }
0x117: {  	s1 =	simm.s32 @!p0 $0x2;
	[sflag:s20] =	ssyncadd.s32 @!p0 $0xFFFFC800  }
0x118: {  	_ =	swait.ge @!p0 [sflag:s1], $0x3800  }
0x119: {  	[sflag:s1] =	ssyncset.done @!p0 $0x0  }
0x11a: {  	[sflag:s1] =	ssyncadd.s32 @!p0 $0xFFFFC800;
	s1 =	sor.u32 @!p0 $0x80, s28  }
0x11b: {  	[tilespmem:s9], [sflag:$0x1] =	stream.indirect.gather @!p0 [hbm4b:s5+s0], $0x80, s1, s0, $0xb8;
	[tilespmem:$0x1F800] =	vst v63  }
0x11c: {  	s29 =	sor.u32 $0x800, s31  }
0x11d: {  	[spmem:s3] =	stream.indirect.scatter.add.f32 [tilespmem:s25], [sflag:$0x2], $0x80, s29, s21, $0xb8;
	[tilespmem:$0x1F800] =	vst v63  }
0x11e: {  	s4 =	sadd.s32 $0x1, s4;
	_ =	swait.ge [sflag:s26], $0x3800  }
0x11f: {  	s30 =	stileid.u32;
	s31 =	sshrl.u32 s7, $0x3;
	[sflag:s26] =	ssyncset.done $0x0  }
0x120: {  	s0 =	sshll.u32 s30, $0x6;
	p0 =	sne.s32 s4, s16;
	[sflag:s26] =	ssyncadd.s32 $0xFFFFC800  }
.Ltmp2:
0x121: {  	s0 =	sor.u32 $0x1C04, s0;
	[bflag:$0x0] =	sbarrier.arrive $0xFFFF;
	(pc) =	sbr.rel @p0 .LBB2_1-.Ltmp2, $4  }
0x122: {  	[hbm:s15], [sflag:s0] =	dma.local [spmem:s31], $0x2800  }
0x123: {  	_ =	swait.ge [sflag:s19], $0x2800  }
0x124: {  	[sflag:s19] =	ssyncset.done $0x0  }
0x125: {  	[sflag:s19] =	ssyncadd.s32 $0xFFFFD800  }
0x126: {  	_ =	sfence.sel $0x180000  }
0x127: {  	[bflag:$0x0] =	sbarrier.arrive $0xFFFF  }
0x128: {  	_ =	strace $0x9000004A  }
0x129: {  	s0 =	stileid.u32;
	[bflag:$0x2] =	sbarrier.arrive $0xFFFF  }
0x12a: {  	p0 =	sne.s32 s0, $0x0;
	s0 =	rddreg [dreg:$0x3]  }
0x12b: {  	s0 =	sadd.s32 @!p0 $0x100000, s0  }
0x12c: {  	[sflag:s0] =	ssyncadd.tile.s32 @!p0 $0x1;
	_ =	shalt  }
.Lfunc_end2:
_tile_overlayer_lowered:
.L_overlay_start_2:
0x12d: {  	(tag) =	ssettag $0x2  }
0x12e: {  	s0 =	rddreg [dreg:$0x0];
	s2 =	stileid.u32  }
0x12f: {  	s1 =	rddreg [dreg:$0x1];
	p0 =	sne.s32 s2, $0x0  }
0x130: {  	s3 =	rddreg [dreg:$0x2];
	[bflag:$0x3] =	sbarrier.arrive $0xFFFF;
	s2 =	simm.s32 @!p0 $0x1C04  }
0x131: {  	[timem:s3], [sflag:s2] =	dma.local @!p0 [hbm:s0], s1  }
0x132: {  	s0 =	simm.s32 @!p0 $0x4  }
0x133: {  	_ =	swait.ge @!p0 [sflag:s0], s1  }
0x134: {  	s1 =	ssub.s32 @!p0 $0x0, s1;
	[sflag:s0] =	ssyncset.done @!p0 $0x0  }
0x135: {  	[sflag:s0] =	ssyncadd.s32 @!p0 s1  }
0x136: {  	[bflag:$0x3] =	sbarrier.arrive $0xFFFF  }
0x137: {  	_ =	shalt  }

</sc_bundles>
